<compile_context>
chip_gen: v7x
topology: tpu7x:2x2x1
jax: 0.10.2.dev20260603
libtpu: 0.0.44.dev20260713+nightly
codegen_flags: <defaults>
</compile_context>

<pallas_src>
import functools

import jax
import jax.numpy as jnp
from jax import lax
from jax.experimental import pallas as pl
from jax.experimental.pallas import tpu as pltpu
from jax.experimental.pallas import tpu_sc as plsc

N = 10000
E = 320000
F = 128
NC = 2
NS = 16
NW = NC * NS
CH = 128
NCH = -(-((E + NW * CH - 1) // (NW * CH)) // 8) * 8
EPW = NCH * CH
EP = NW * EPW
NTRASH = 112
NPAD = N + NTRASH
RPT = NPAD // NS

_mesh = plsc.VectorSubcoreMesh(core_axis_name="c", subcore_axis_name="s")


def _flat_worker_id():
    return lax.axis_index("s") * NC + lax.axis_index("c")



@functools.partial(
    pl.kernel,
    out_type=jax.ShapeDtypeStruct((NC, NPAD, F), jnp.float32),
    mesh=_mesh,
    scratch_types=[
        pltpu.VMEM_SHARED((NPAD, F), jnp.float32),
        pltpu.VMEM((NCH, 128), jnp.int32),
        pltpu.VMEM((CH, F), jnp.float32),
        pltpu.SemaphoreType.DMA,
    ],
)
def _sc_degree(rowd_hbm, zeros_hbm, ones_hbm, out_hbm, acc, idx_v, upd_v, sem):
    c = lax.axis_index("c")
    s = lax.axis_index("s")
    w = _flat_worker_id()
    pltpu.sync_copy(zeros_hbm.at[pl.ds(s * RPT, RPT)], acc.at[pl.ds(s * RPT, RPT)])
    pltpu.sync_copy(ones_hbm, upd_v)
    pltpu.sync_copy(rowd_hbm.at[pl.ds(w * NCH, NCH)], idx_v)
    plsc.subcore_barrier()

    for j in range(8):
        pltpu.async_copy(upd_v, acc.at[idx_v.at[j]], sem, add=True)

    @pl.loop(8, NCH)
    def _(j):
        pltpu.make_async_copy(upd_v, acc.at[idx_v.at[0]], sem).wait()
        pltpu.async_copy(upd_v, acc.at[idx_v.at[j]], sem, add=True)

    @pl.loop(0, 8)
    def _(j):
        pltpu.make_async_copy(upd_v, acc.at[idx_v.at[0]], sem).wait()

    plsc.subcore_barrier()
    pltpu.sync_copy(acc.at[pl.ds(s * RPT, RPT)], out_hbm.at[c, pl.ds(s * RPT, RPT)])



HNCH = NCH // 2


@functools.partial(
    pl.kernel,
    out_type=jax.ShapeDtypeStruct((NC, NPAD, F), jnp.float32),
    mesh=_mesh,
    scratch_types=[
        pltpu.VMEM_SHARED((NPAD, F), jnp.float32),
        pltpu.VMEM((HNCH, 128), jnp.int32),
        pltpu.VMEM((HNCH, 128), jnp.int32),
        pltpu.VMEM((CH, F), jnp.float32),
        pltpu.VMEM((CH, F), jnp.float32),
        pltpu.SemaphoreType.DMA,
        pltpu.SemaphoreType.DMA,
    ],
)
def _sc_prop(u_hbm, rowg_hbm, cols_hbm, zeros_hbm, out_hbm,
             acc, gidx_v, sidx_v, buf0, buf1, sem0, sem1):
    c = lax.axis_index("c")
    s = lax.axis_index("s")
    w = _flat_worker_id()
    pltpu.sync_copy(zeros_hbm.at[pl.ds(s * RPT, RPT)], acc.at[pl.ds(s * RPT, RPT)])
    plsc.subcore_barrier()

    for h in range(2):
        base = w * NCH + h * HNCH
        pltpu.sync_copy(rowg_hbm.at[pl.ds(base, HNCH)], gidx_v)
        pltpu.sync_copy(cols_hbm.at[pl.ds(base, HNCH)], sidx_v)

        pltpu.async_copy(u_hbm.at[gidx_v.at[0]], buf0, sem0)
        pltpu.async_copy(u_hbm.at[gidx_v.at[1]], buf1, sem1)

        @pl.loop(0, HNCH - 2, step=2)
        def _(j):
            pltpu.make_async_copy(u_hbm.at[gidx_v.at[j]], buf0, sem0).wait()
            pltpu.sync_copy(buf0, acc.at[sidx_v.at[j]], add=True)
            pltpu.async_copy(u_hbm.at[gidx_v.at[j + 2]], buf0, sem0)

            pltpu.make_async_copy(u_hbm.at[gidx_v.at[j]], buf1, sem1).wait()
            pltpu.sync_copy(buf1, acc.at[sidx_v.at[j + 1]], add=True)
            pltpu.async_copy(u_hbm.at[gidx_v.at[j + 3]], buf1, sem1)

        pltpu.make_async_copy(u_hbm.at[gidx_v.at[0]], buf0, sem0).wait()
        pltpu.sync_copy(buf0, acc.at[sidx_v.at[HNCH - 2]], add=True)
        pltpu.make_async_copy(u_hbm.at[gidx_v.at[0]], buf1, sem1).wait()
        pltpu.sync_copy(buf1, acc.at[sidx_v.at[HNCH - 1]], add=True)

    plsc.subcore_barrier()
    pltpu.sync_copy(acc.at[pl.ds(s * RPT, RPT)], out_hbm.at[c, pl.ds(s * RPT, RPT)])



def _tc_acc0_body(f_ref, w_ref, acc0_ref):
    acc0_ref[...] = jnp.dot(f_ref[...], w_ref[0] - w_ref[2],
                            preferred_element_type=jnp.float32)


def _tc_prep_body(pp_ref, f_ref, dinv_ref, u0_ref):
    deg = pp_ref[0, :N, 0:1] + pp_ref[1, :N, 0:1]
    pos = deg > 0.0
    dinv = jnp.where(pos, lax.rsqrt(jnp.where(pos, deg, 1.0)), 0.0)
    dinv_ref[...] = dinv
    u0_ref[...] = dinv * f_ref[...]


def _tc_mid_body(p1_ref, dinv_ref, acc0_ref, w_ref, acc1_ref, u1_ref):
    g1 = p1_ref[0, :N, :] + p1_ref[1, :N, :]
    dinv = dinv_ref[...]
    tx1 = -dinv * g1
    acc1_ref[...] = acc0_ref[...] + jnp.dot(tx1, w_ref[1],
                                            preferred_element_type=jnp.float32)
    u1_ref[...] = dinv * tx1


def _tc_final_body(p2_ref, dinv_ref, acc1_ref, w_ref, cb_ref, fw_ref, fb_ref,
                   y_ref):
    g2 = p2_ref[0, :N, :] + p2_ref[1, :N, :]
    b = -dinv_ref[...] * jnp.dot(g2, 2.0 * w_ref[2],
                                 preferred_element_type=jnp.float32)
    out = acc1_ref[...] + b + cb_ref[...]
    h = jnp.tanh(out)
    y_ref[...] = jnp.dot(h, fw_ref[...], preferred_element_type=jnp.float32) \
        + fb_ref[...]


def kernel(features, adj, cheb_w, cheb_b, final_w, final_b):
    row = adj[0]
    col = adj[1]
    pad = EP - E
    ar = lax.iota(jnp.int32, pad)
    trash = N + (ar % NTRASH)
    rowg = jnp.concatenate([row, ar % N]).reshape(NW * NCH, 128)
    rowd = jnp.concatenate([row, trash]).reshape(NW * NCH, 128)
    cols = jnp.concatenate([col, trash]).reshape(NW * NCH, 128)

    zerosF = jnp.zeros((NPAD, F), jnp.float32)
    onesF = jnp.ones((CH, F), jnp.float32)

    deg_pp = _sc_degree(rowd, zerosF, onesF)

    acc0 = pl.pallas_call(
        _tc_acc0_body,
        out_shape=jax.ShapeDtypeStruct((N, F), jnp.float32),
    )(features, cheb_w)

    dinv, u0 = pl.pallas_call(
        _tc_prep_body,
        out_shape=[
            jax.ShapeDtypeStruct((N, 1), jnp.float32),
            jax.ShapeDtypeStruct((N, F), jnp.float32),
        ],
    )(deg_pp, features)

    p1 = _sc_prop(u0, rowg, cols, zerosF)

    acc1, u1 = pl.pallas_call(
        _tc_mid_body,
        out_shape=[
            jax.ShapeDtypeStruct((N, F), jnp.float32),
            jax.ShapeDtypeStruct((N, F), jnp.float32),
        ],
    )(p1, dinv, acc0, cheb_w)

    p2 = _sc_prop(u1, rowg, cols, zerosF)

    y = pl.pallas_call(
        _tc_final_body,
        out_shape=jax.ShapeDtypeStruct((N, 1), jnp.float32),
    )(p2, dinv, acc1, cheb_w, cheb_b.reshape(1, F), final_w,
      final_b.reshape(1, 1))

    return y.reshape(-1)

# --- scband reference (transcript-rebuilt; emitter-appended) ---
"""Pipeline reference for scband-actor-68375879352861 (READ-ONLY COPY).

The authoritative reference and input builder live on the scoring server;
editing this copy changes nothing except your own understanding.
"""

import jax, jax.numpy as jnp
import numpy as np

N = 10000
E = 320000
F_IN = 128
F_HID = 128
K = 3

def setup_inputs(seed: int = 0) -> dict:
    key = jax.random.key(seed)
    ks = jax.random.split(key, 6)
    features = jax.random.normal(ks[0], (N, F_IN), dtype=jnp.float32)
    adj = jax.random.randint(ks[1], (2, E), 0, N)
    # ChebConv parameters: K separate Linear(F_IN, F_HID, bias=False) + shared bias
    cheb_w = jax.random.normal(ks[2], (K, F_IN, F_HID), dtype=jnp.float32) / np.sqrt(F_IN)
    cheb_b = jnp.zeros((F_HID,), dtype=jnp.float32)
    final_w = jax.random.normal(ks[3], (F_HID, 1), dtype=jnp.float32) / np.sqrt(F_HID)
    final_b = jnp.zeros((1,), dtype=jnp.float32)
    return {"features": features, "adj": adj, "cheb_w": cheb_w, "cheb_b": cheb_b,
            "final_w": final_w, "final_b": final_b}

def reference(features, adj, cheb_w, cheb_b, final_w, final_b):
    # ChebConv (PyG semantics, normalization='sym', lambda_max=2.0):
    # L_hat = (2/lambda_max) * (I - D^-1/2 A D^-1/2) - I = -D^-1/2 A D^-1/2
    # (the +1 diagonal from the Laplacian and the -1 added self-loops cancel)
    row = adj[0]
    col = adj[1]
    w = jnp.ones((E,), dtype=features.dtype)
    deg = jax.ops.segment_sum(w, row, num_segments=N)
    deg_inv_sqrt = jnp.where(deg > 0, jax.lax.rsqrt(jnp.where(deg > 0, deg, 1.0)), 0.0)
    norm = -deg_inv_sqrt[row] * w * deg_inv_sqrt[col]

    def prop(x):
        # message: norm * x_j (x gathered at source=row), aggregated at target=col
        return jax.ops.segment_sum(norm[:, None] * x[row], col, num_segments=N)

    Tx0 = features
    out = Tx0 @ cheb_w[0]
    Tx1 = prop(Tx0)
    out = out + Tx1 @ cheb_w[1]
    for k in range(2, K):
        Tx2 = 2.0 * prop(Tx1) - Tx0
        out = out + Tx2 @ cheb_w[k]
        Tx0, Tx1 = Tx1, Tx2
    out = out + cheb_b
    h = jnp.tanh(out)
    y = (h @ final_w + final_b).reshape(-1)
    return y

if __name__ == "__main__":
    import jax
    _d = setup_inputs()
    print(jax.jit(kernel)(*tuple(_d.values())))

</pallas_src>

<mosaic_0001>
#map = affine_map<(d0, d1) -> (0, 0)>
#map1 = affine_map<(d0, d1) -> (0, 0, 0)>
module attributes {stable_mosaic.version = 14 : i64} {
  func.func @_sc_prop(%arg0: i32, %arg1: i32, %arg2: memref<10000x128xf32, #tpu.memory_space<hbm>>, %arg3: memref<2560x128xi32, #tpu.memory_space<hbm>>, %arg4: memref<2560x128xi32, #tpu.memory_space<hbm>>, %arg5: memref<10112x128xf32, #tpu.memory_space<hbm>>, %arg6: memref<2x10112x128xf32, #tpu.memory_space<hbm>>, %arg7: memref<10112x128xf32, #tpu.memory_space<vmem_shared>>, %arg8: memref<40x128xi32, #tpu.memory_space<vmem>>, %arg9: memref<40x128xi32, #tpu.memory_space<vmem>>, %arg10: memref<128x128xf32, #tpu.memory_space<vmem>>, %arg11: memref<128x128xf32, #tpu.memory_space<vmem>>, %arg12: memref<!tpu.dma_semaphore, #tpu.memory_space<semaphore_mem>>, %arg13: memref<!tpu.dma_semaphore, #tpu.memory_space<semaphore_mem>>) attributes {dimension_semantics = [#tpu.dimension_semantics<core_parallel>, #tpu.dimension_semantics<subcore_parallel>], iteration_bounds = array<i64: 2, 16>, scalar_prefetch = 0 : i64, scratch_operands = 7 : i64, tpu.core_type = #tpu.core_type<sc_vector_subcore>, window_params = [{transform_indices = #map}, {transform_indices = #map}, {transform_indices = #map}, {transform_indices = #map}, {transform_indices = #map1}]} {
    %mul3A = arith.constant 2 : i32
    %mul3A_0 = arith.muli %arg1, %mul3A : i32
    %add3A = arith.addi %mul3A_0, %arg0 : i32
    %mul3A_1 = arith.constant 632 : i32
    %mul3A_2 = arith.muli %arg1, %mul3A_1 : i32
    %mul3A_3 = arith.constant 632 : i32
    %mul3A_4 = arith.muli %arg1, %mul3A_3 : i32
    "tpu.region"() ({
      %run_scoped3A_84 = tpu.sem_alloc : memref<!tpu.dma_semaphore, #tpu.memory_space<semaphore_mem>>
      %dma_start3A_85 = arith.constant 0 : i32
      %dma_start3A_86 = tpu.memref_slice %arg7[%mul3A_4, %dma_start3A_85] : memref<10112x128xf32, #tpu.memory_space<vmem_shared>> -> memref<632x128xf32, #tpu.memory_space<vmem_shared>>
      %dma_start3A_87 = arith.constant 0 : i32
      %dma_start3A_88 = tpu.memref_slice %arg5[%mul3A_2, %dma_start3A_87] : memref<10112x128xf32, #tpu.memory_space<hbm>> -> memref<632x128xf32, #tpu.memory_space<hbm>>
      tpu.enqueue_dma source(%dma_start3A_88 : memref<632x128xf32, #tpu.memory_space<hbm>>) target(%dma_start3A_86 : memref<632x128xf32, #tpu.memory_space<vmem_shared>>) target_semaphore(%run_scoped3A_84 : memref<!tpu.dma_semaphore, #tpu.memory_space<semaphore_mem>>)
      %dma_wait3A_89 = arith.constant 0 : i32
      %dma_wait3A_90 = tpu.memref_slice %arg7[%mul3A_4, %dma_wait3A_89] : memref<10112x128xf32, #tpu.memory_space<vmem_shared>> -> memref<632x128xf32, #tpu.memory_space<vmem_shared>>
      %dma_wait3A_91 = arith.constant 0 : i32
      %dma_wait3A_92 = tpu.memref_slice %arg5[%mul3A_2, %dma_wait3A_91] : memref<10112x128xf32, #tpu.memory_space<hbm>> -> memref<632x128xf32, #tpu.memory_space<hbm>>
      tpu.wait_dma2 semaphore(%run_scoped3A_84 : memref<!tpu.dma_semaphore, #tpu.memory_space<semaphore_mem>>) src(%dma_wait3A_92 : memref<632x128xf32, #tpu.memory_space<hbm>>) dst(%dma_wait3A_90 : memref<632x128xf32, #tpu.memory_space<vmem_shared>>)
      tpu.yield
    }) : () -> ()
    %barrier3A = arith.constant 0 : index
    tpu.barrier barrier_id(%barrier3A)
    %mul3A_5 = arith.constant 80 : i32
    %mul3A_6 = arith.muli %add3A, %mul3A_5 : i32
    %add3A_7 = arith.constant 0 : i32
    %add3A_8 = arith.addi %mul3A_6, %add3A_7 : i32
    "tpu.region"() ({
      %run_scoped3A_84 = tpu.sem_alloc : memref<!tpu.dma_semaphore, #tpu.memory_space<semaphore_mem>>
      %dma_start3A_85 = arith.constant 0 : i32
      %dma_start3A_86 = tpu.memref_slice %arg3[%add3A_8, %dma_start3A_85] : memref<2560x128xi32, #tpu.memory_space<hbm>> -> memref<40x128xi32, #tpu.memory_space<hbm>>
      %dma_start3A_87 = arith.constant 0 : i32
      %dma_start3A_88 = tpu.memref_slice %arg3[%add3A_8, %dma_start3A_87] : memref<2560x128xi32, #tpu.memory_space<hbm>> -> memref<40x128xi32, #tpu.memory_space<hbm>>
      tpu.enqueue_dma source(%dma_start3A_88 : memref<40x128xi32, #tpu.memory_space<hbm>>) target(%arg8 : memref<40x128xi32, #tpu.memory_space<vmem>>) target_semaphore(%run_scoped3A_84 : memref<!tpu.dma_semaphore, #tpu.memory_space<semaphore_mem>>)
      %dma_wait3A_89 = arith.constant 0 : i32
      %dma_wait3A_90 = tpu.memref_slice %arg3[%add3A_8, %dma_wait3A_89] : memref<2560x128xi32, #tpu.memory_space<hbm>> -> memref<40x128xi32, #tpu.memory_space<hbm>>
      %dma_wait3A_91 = arith.constant 0 : i32
      %dma_wait3A_92 = tpu.memref_slice %arg3[%add3A_8, %dma_wait3A_91] : memref<2560x128xi32, #tpu.memory_space<hbm>> -> memref<40x128xi32, #tpu.memory_space<hbm>>
      tpu.wait_dma2 semaphore(%run_scoped3A_84 : memref<!tpu.dma_semaphore, #tpu.memory_space<semaphore_mem>>) src(%dma_wait3A_92 : memref<40x128xi32, #tpu.memory_space<hbm>>) dst(%arg8 : memref<40x128xi32, #tpu.memory_space<vmem>>)
      tpu.yield
    }) : () -> ()
    "tpu.region"() ({
      %run_scoped3A_84 = tpu.sem_alloc : memref<!tpu.dma_semaphore, #tpu.memory_space<semaphore_mem>>
      %dma_start3A_85 = arith.constant 0 : i32
      %dma_start3A_86 = tpu.memref_slice %arg4[%add3A_8, %dma_start3A_85] : memref<2560x128xi32, #tpu.memory_space<hbm>> -> memref<40x128xi32, #tpu.memory_space<hbm>>
      %dma_start3A_87 = arith.constant 0 : i32
      %dma_start3A_88 = tpu.memref_slice %arg4[%add3A_8, %dma_start3A_87] : memref<2560x128xi32, #tpu.memory_space<hbm>> -> memref<40x128xi32, #tpu.memory_space<hbm>>
      tpu.enqueue_dma source(%dma_start3A_88 : memref<40x128xi32, #tpu.memory_space<hbm>>) target(%arg9 : memref<40x128xi32, #tpu.memory_space<vmem>>) target_semaphore(%run_scoped3A_84 : memref<!tpu.dma_semaphore, #tpu.memory_space<semaphore_mem>>)
      %dma_wait3A_89 = arith.constant 0 : i32
      %dma_wait3A_90 = tpu.memref_slice %arg4[%add3A_8, %dma_wait3A_89] : memref<2560x128xi32, #tpu.memory_space<hbm>> -> memref<40x128xi32, #tpu.memory_space<hbm>>
      %dma_wait3A_91 = arith.constant 0 : i32
      %dma_wait3A_92 = tpu.memref_slice %arg4[%add3A_8, %dma_wait3A_91] : memref<2560x128xi32, #tpu.memory_space<hbm>> -> memref<40x128xi32, #tpu.memory_space<hbm>>
      tpu.wait_dma2 semaphore(%run_scoped3A_84 : memref<!tpu.dma_semaphore, #tpu.memory_space<semaphore_mem>>) src(%dma_wait3A_92 : memref<40x128xi32, #tpu.memory_space<hbm>>) dst(%arg9 : memref<40x128xi32, #tpu.memory_space<vmem>>)
      tpu.yield
    }) : () -> ()
    %dma_start3A = arith.constant 0 : i32
    %dma_start3A_9 = arith.constant 0 : i32
    %dma_start3A_10 = tpu.memref_slice %arg8[%dma_start3A, %dma_start3A_9] : memref<40x128xi32, #tpu.memory_space<vmem>> -> memref<1x128xi32, #tpu.memory_space<vmem>>
    %dma_start3A_11 = tpu.memref_squeeze %dma_start3A_10 : memref<1x128xi32, #tpu.memory_space<vmem>> -> memref<128xi32, #tpu.memory_space<vmem>>
    %dma_start3A_12 = arith.constant 0 : i32
    %dma_start3A_13 = arith.constant 0 : i32
    %dma_start3A_14 = tpu.memref_slice %arg2[%dma_start3A_12, %dma_start3A_13] : memref<10000x128xf32, #tpu.memory_space<hbm>> -> memref<10000x128xf32, #tpu.memory_space<hbm>>
    tpu.enqueue_indirect_dma source(%dma_start3A_14 : memref<10000x128xf32, #tpu.memory_space<hbm>>) target(%arg10 : memref<128x128xf32, #tpu.memory_space<vmem>>) offsets(%dma_start3A_11 : memref<128xi32, #tpu.memory_space<vmem>>) semaphore(%arg12 : memref<!tpu.dma_semaphore, #tpu.memory_space<semaphore_mem>>)
    %dma_start3A_15 = arith.constant 1 : i32
    %dma_start3A_16 = arith.constant 0 : i32
    %dma_start3A_17 = tpu.memref_slice %arg8[%dma_start3A_15, %dma_start3A_16] : memref<40x128xi32, #tpu.memory_space<vmem>> -> memref<1x128xi32, #tpu.memory_space<vmem>>
    %dma_start3A_18 = tpu.memref_squeeze %dma_start3A_17 : memref<1x128xi32, #tpu.memory_space<vmem>> -> memref<128xi32, #tpu.memory_space<vmem>>
    %dma_start3A_19 = arith.constant 0 : i32
    %dma_start3A_20 = arith.constant 0 : i32
    %dma_start3A_21 = tpu.memref_slice %arg2[%dma_start3A_19, %dma_start3A_20] : memref<10000x128xf32, #tpu.memory_space<hbm>> -> memref<10000x128xf32, #tpu.memory_space<hbm>>
    tpu.enqueue_indirect_dma source(%dma_start3A_21 : memref<10000x128xf32, #tpu.memory_space<hbm>>) target(%arg11 : memref<128x128xf32, #tpu.memory_space<vmem>>) offsets(%dma_start3A_18 : memref<128xi32, #tpu.memory_space<vmem>>) semaphore(%arg13 : memref<!tpu.dma_semaphore, #tpu.memory_space<semaphore_mem>>)
    %scan3A = arith.constant 0 : i32
    %scan3A_22 = arith.constant 19 : i32
    %scan3A_23 = arith.addi %scan3A, %scan3A_22 : i32
    %scan3A_24 = arith.constant 1 : i32
    scf.for %scan3A_84 = %scan3A to %scan3A_23 step %scan3A_24  : i32 {
      %mul3A_85 = arith.constant 2 : i32
      %mul3A_86 = arith.muli %scan3A_84, %mul3A_85 : i32
      %add3A_87 = arith.constant 0 : i32
      %add3A_88 = arith.addi %add3A_87, %mul3A_86 : i32
      %dma_wait3A_89 = arith.constant 0 : i32
      %dma_wait3A_90 = tpu.memref_slice %arg8[%add3A_88, %dma_wait3A_89] : memref<40x128xi32, #tpu.memory_space<vmem>> -> memref<1x128xi32, #tpu.memory_space<vmem>>
      %dma_wait3A_91 = tpu.memref_squeeze %dma_wait3A_90 : memref<1x128xi32, #tpu.memory_space<vmem>> -> memref<128xi32, #tpu.memory_space<vmem>>
      %dma_wait3A_92 = arith.constant 0 : i32
      %dma_wait3A_93 = arith.constant 0 : i32
      %dma_wait3A_94 = tpu.memref_slice %arg2[%dma_wait3A_92, %dma_wait3A_93] : memref<10000x128xf32, #tpu.memory_space<hbm>> -> memref<10000x128xf32, #tpu.memory_space<hbm>>
      tpu.wait_indirect_dma semaphore(%arg12 : memref<!tpu.dma_semaphore, #tpu.memory_space<semaphore_mem>>) src(%dma_wait3A_94 : memref<10000x128xf32, #tpu.memory_space<hbm>>) dst(%arg10 : memref<128x128xf32, #tpu.memory_space<vmem>>)
      "tpu.region"() ({
        %run_scoped3A_119 = tpu.sem_alloc : memref<!tpu.dma_semaphore, #tpu.memory_space<semaphore_mem>>
        %dma_start3A_120 = arith.constant 0 : i32
        %dma_start3A_121 = tpu.memref_slice %arg9[%add3A_88, %dma_start3A_120] : memref<40x128xi32, #tpu.memory_space<vmem>> -> memref<1x128xi32, #tpu.memory_space<vmem>>
        %dma_start3A_122 = tpu.memref_squeeze %dma_start3A_121 : memref<1x128xi32, #tpu.memory_space<vmem>> -> memref<128xi32, #tpu.memory_space<vmem>>
        %dma_start3A_123 = arith.constant 0 : i32
        %dma_start3A_124 = arith.constant 0 : i32
        %dma_start3A_125 = tpu.memref_slice %arg7[%dma_start3A_123, %dma_start3A_124] : memref<10112x128xf32, #tpu.memory_space<vmem_shared>> -> memref<10112x128xf32, #tpu.memory_space<vmem_shared>>
        tpu.enqueue_indirect_dma source(%arg10 : memref<128x128xf32, #tpu.memory_space<vmem>>) target(%dma_start3A_125 : memref<10112x128xf32, #tpu.memory_space<vmem_shared>>) offsets(%dma_start3A_122 : memref<128xi32, #tpu.memory_space<vmem>>) semaphore(%run_scoped3A_119 : memref<!tpu.dma_semaphore, #tpu.memory_space<semaphore_mem>>) {add = true}
        %dma_wait3A_126 = arith.constant 0 : i32
        %dma_wait3A_127 = tpu.memref_slice %arg9[%add3A_88, %dma_wait3A_126] : memref<40x128xi32, #tpu.memory_space<vmem>> -> memref<1x128xi32, #tpu.memory_space<vmem>>
        %dma_wait3A_128 = tpu.memref_squeeze %dma_wait3A_127 : memref<1x128xi32, #tpu.memory_space<vmem>> -> memref<128xi32, #tpu.memory_space<vmem>>
        %dma_wait3A_129 = arith.constant 0 : i32
        %dma_wait3A_130 = arith.constant 0 : i32
        %dma_wait3A_131 = tpu.memref_slice %arg7[%dma_wait3A_129, %dma_wait3A_130] : memref<10112x128xf32, #tpu.memory_space<vmem_shared>> -> memref<10112x128xf32, #tpu.memory_space<vmem_shared>>
        tpu.wait_indirect_dma semaphore(%run_scoped3A_119 : memref<!tpu.dma_semaphore, #tpu.memory_space<semaphore_mem>>) src(%arg10 : memref<128x128xf32, #tpu.memory_space<vmem>>) dst(%dma_wait3A_131 : memref<10112x128xf32, #tpu.memory_space<vmem_shared>>)
        tpu.yield
      }) : () -> ()
      %add3A_95 = arith.constant 2 : i32
      %add3A_96 = arith.addi %add3A_88, %add3A_95 : i32
      %dma_start3A_97 = arith.constant 0 : i32
      %dma_start3A_98 = tpu.memref_slice %arg8[%add3A_96, %dma_start3A_97] : memref<40x128xi32, #tpu.memory_space<vmem>> -> memref<1x128xi32, #tpu.memory_space<vmem>>
      %dma_start3A_99 = tpu.memref_squeeze %dma_start3A_98 : memref<1x128xi32, #tpu.memory_space<vmem>> -> memref<128xi32, #tpu.memory_space<vmem>>
      %dma_start3A_100 = arith.constant 0 : i32
      %dma_start3A_101 = arith.constant 0 : i32
      %dma_start3A_102 = tpu.memref_slice %arg2[%dma_start3A_100, %dma_start3A_101] : memref<10000x128xf32, #tpu.memory_space<hbm>> -> memref<10000x128xf32, #tpu.memory_space<hbm>>
      tpu.enqueue_indirect_dma source(%dma_start3A_102 : memref<10000x128xf32, #tpu.memory_space<hbm>>) target(%arg10 : memref<128x128xf32, #tpu.memory_space<vmem>>) offsets(%dma_start3A_99 : memref<128xi32, #tpu.memory_space<vmem>>) semaphore(%arg12 : memref<!tpu.dma_semaphore, #tpu.memory_space<semaphore_mem>>)
      %dma_wait3A_103 = arith.constant 0 : i32
      %dma_wait3A_104 = tpu.memref_slice %arg8[%add3A_88, %dma_wait3A_103] : memref<40x128xi32, #tpu.memory_space<vmem>> -> memref<1x128xi32, #tpu.memory_space<vmem>>
      %dma_wait3A_105 = tpu.memref_squeeze %dma_wait3A_104 : memref<1x128xi32, #tpu.memory_space<vmem>> -> memref<128xi32, #tpu.memory_space<vmem>>
      %dma_wait3A_106 = arith.constant 0 : i32
      %dma_wait3A_107 = arith.constant 0 : i32
      %dma_wait3A_108 = tpu.memref_slice %arg2[%dma_wait3A_106, %dma_wait3A_107] : memref<10000x128xf32, #tpu.memory_space<hbm>> -> memref<10000x128xf32, #tpu.memory_space<hbm>>
      tpu.wait_indirect_dma semaphore(%arg13 : memref<!tpu.dma_semaphore, #tpu.memory_space<semaphore_mem>>) src(%dma_wait3A_108 : memref<10000x128xf32, #tpu.memory_space<hbm>>) dst(%arg11 : memref<128x128xf32, #tpu.memory_space<vmem>>)
      %add3A_109 = arith.constant 1 : i32
      %add3A_110 = arith.addi %add3A_88, %add3A_109 : i32
      "tpu.region"() ({
        %run_scoped3A_119 = tpu.sem_alloc : memref<!tpu.dma_semaphore, #tpu.memory_space<semaphore_mem>>
        %dma_start3A_120 = arith.constant 0 : i32
        %dma_start3A_121 = tpu.memref_slice %arg9[%add3A_110, %dma_start3A_120] : memref<40x128xi32, #tpu.memory_space<vmem>> -> memref<1x128xi32, #tpu.memory_space<vmem>>
        %dma_start3A_122 = tpu.memref_squeeze %dma_start3A_121 : memref<1x128xi32, #tpu.memory_space<vmem>> -> memref<128xi32, #tpu.memory_space<vmem>>
        %dma_start3A_123 = arith.constant 0 : i32
        %dma_start3A_124 = arith.constant 0 : i32
        %dma_start3A_125 = tpu.memref_slice %arg7[%dma_start3A_123, %dma_start3A_124] : memref<10112x128xf32, #tpu.memory_space<vmem_shared>> -> memref<10112x128xf32, #tpu.memory_space<vmem_shared>>
        tpu.enqueue_indirect_dma source(%arg11 : memref<128x128xf32, #tpu.memory_space<vmem>>) target(%dma_start3A_125 : memref<10112x128xf32, #tpu.memory_space<vmem_shared>>) offsets(%dma_start3A_122 : memref<128xi32, #tpu.memory_space<vmem>>) semaphore(%run_scoped3A_119 : memref<!tpu.dma_semaphore, #tpu.memory_space<semaphore_mem>>) {add = true}
        %dma_wait3A_126 = arith.constant 0 : i32
        %dma_wait3A_127 = tpu.memref_slice %arg9[%add3A_110, %dma_wait3A_126] : memref<40x128xi32, #tpu.memory_space<vmem>> -> memref<1x128xi32, #tpu.memory_space<vmem>>
        %dma_wait3A_128 = tpu.memref_squeeze %dma_wait3A_127 : memref<1x128xi32, #tpu.memory_space<vmem>> -> memref<128xi32, #tpu.memory_space<vmem>>
        %dma_wait3A_129 = arith.constant 0 : i32
        %dma_wait3A_130 = arith.constant 0 : i32
        %dma_wait3A_131 = tpu.memref_slice %arg7[%dma_wait3A_129, %dma_wait3A_130] : memref<10112x128xf32, #tpu.memory_space<vmem_shared>> -> memref<10112x128xf32, #tpu.memory_space<vmem_shared>>
        tpu.wait_indirect_dma semaphore(%run_scoped3A_119 : memref<!tpu.dma_semaphore, #tpu.memory_space<semaphore_mem>>) src(%arg11 : memref<128x128xf32, #tpu.memory_space<vmem>>) dst(%dma_wait3A_131 : memref<10112x128xf32, #tpu.memory_space<vmem_shared>>)
        tpu.yield
      }) : () -> ()
      %add3A_111 = arith.constant 3 : i32
      %add3A_112 = arith.addi %add3A_88, %add3A_111 : i32
      %dma_start3A_113 = arith.constant 0 : i32
      %dma_start3A_114 = tpu.memref_slice %arg8[%add3A_112, %dma_start3A_113] : memref<40x128xi32, #tpu.memory_space<vmem>> -> memref<1x128xi32, #tpu.memory_space<vmem>>
      %dma_start3A_115 = tpu.memref_squeeze %dma_start3A_114 : memref<1x128xi32, #tpu.memory_space<vmem>> -> memref<128xi32, #tpu.memory_space<vmem>>
      %dma_start3A_116 = arith.constant 0 : i32
      %dma_start3A_117 = arith.constant 0 : i32
      %dma_start3A_118 = tpu.memref_slice %arg2[%dma_start3A_116, %dma_start3A_117] : memref<10000x128xf32, #tpu.memory_space<hbm>> -> memref<10000x128xf32, #tpu.memory_space<hbm>>
      tpu.enqueue_indirect_dma source(%dma_start3A_118 : memref<10000x128xf32, #tpu.memory_space<hbm>>) target(%arg11 : memref<128x128xf32, #tpu.memory_space<vmem>>) offsets(%dma_start3A_115 : memref<128xi32, #tpu.memory_space<vmem>>) semaphore(%arg13 : memref<!tpu.dma_semaphore, #tpu.memory_space<semaphore_mem>>)
    }
    %scan3A_25 = arith.constant 19 : i32
    %dma_wait3A = arith.constant 0 : i32
    %dma_wait3A_26 = arith.constant 0 : i32
    %dma_wait3A_27 = tpu.memref_slice %arg8[%dma_wait3A, %dma_wait3A_26] : memref<40x128xi32, #tpu.memory_space<vmem>> -> memref<1x128xi32, #tpu.memory_space<vmem>>
    %dma_wait3A_28 = tpu.memref_squeeze %dma_wait3A_27 : memref<1x128xi32, #tpu.memory_space<vmem>> -> memref<128xi32, #tpu.memory_space<vmem>>
    %dma_wait3A_29 = arith.constant 0 : i32
    %dma_wait3A_30 = arith.constant 0 : i32
    %dma_wait3A_31 = tpu.memref_slice %arg2[%dma_wait3A_29, %dma_wait3A_30] : memref<10000x128xf32, #tpu.memory_space<hbm>> -> memref<10000x128xf32, #tpu.memory_space<hbm>>
    tpu.wait_indirect_dma semaphore(%arg12 : memref<!tpu.dma_semaphore, #tpu.memory_space<semaphore_mem>>) src(%dma_wait3A_31 : memref<10000x128xf32, #tpu.memory_space<hbm>>) dst(%arg10 : memref<128x128xf32, #tpu.memory_space<vmem>>)
    %run_scoped3A = arith.constant 38 : i32
    "tpu.region"() ({
      %run_scoped3A_84 = tpu.sem_alloc : memref<!tpu.dma_semaphore, #tpu.memory_space<semaphore_mem>>
      %dma_start3A_85 = arith.constant 0 : i32
      %dma_start3A_86 = tpu.memref_slice %arg9[%run_scoped3A, %dma_start3A_85] : memref<40x128xi32, #tpu.memory_space<vmem>> -> memref<1x128xi32, #tpu.memory_space<vmem>>
      %dma_start3A_87 = tpu.memref_squeeze %dma_start3A_86 : memref<1x128xi32, #tpu.memory_space<vmem>> -> memref<128xi32, #tpu.memory_space<vmem>>
      %dma_start3A_88 = arith.constant 0 : i32
      %dma_start3A_89 = arith.constant 0 : i32
      %dma_start3A_90 = tpu.memref_slice %arg7[%dma_start3A_88, %dma_start3A_89] : memref<10112x128xf32, #tpu.memory_space<vmem_shared>> -> memref<10112x128xf32, #tpu.memory_space<vmem_shared>>
      tpu.enqueue_indirect_dma source(%arg10 : memref<128x128xf32, #tpu.memory_space<vmem>>) target(%dma_start3A_90 : memref<10112x128xf32, #tpu.memory_space<vmem_shared>>) offsets(%dma_start3A_87 : memref<128xi32, #tpu.memory_space<vmem>>) semaphore(%run_scoped3A_84 : memref<!tpu.dma_semaphore, #tpu.memory_space<semaphore_mem>>) {add = true}
      %dma_wait3A_91 = arith.constant 0 : i32
      %dma_wait3A_92 = tpu.memref_slice %arg9[%run_scoped3A, %dma_wait3A_91] : memref<40x128xi32, #tpu.memory_space<vmem>> -> memref<1x128xi32, #tpu.memory_space<vmem>>
      %dma_wait3A_93 = tpu.memref_squeeze %dma_wait3A_92 : memref<1x128xi32, #tpu.memory_space<vmem>> -> memref<128xi32, #tpu.memory_space<vmem>>
      %dma_wait3A_94 = arith.constant 0 : i32
      %dma_wait3A_95 = arith.constant 0 : i32
      %dma_wait3A_96 = tpu.memref_slice %arg7[%dma_wait3A_94, %dma_wait3A_95] : memref<10112x128xf32, #tpu.memory_space<vmem_shared>> -> memref<10112x128xf32, #tpu.memory_space<vmem_shared>>
      tpu.wait_indirect_dma semaphore(%run_scoped3A_84 : memref<!tpu.dma_semaphore, #tpu.memory_space<semaphore_mem>>) src(%arg10 : memref<128x128xf32, #tpu.memory_space<vmem>>) dst(%dma_wait3A_96 : memref<10112x128xf32, #tpu.memory_space<vmem_shared>>)
      tpu.yield
    }) : () -> ()
    %dma_wait3A_32 = arith.constant 0 : i32
    %dma_wait3A_33 = arith.constant 0 : i32
    %dma_wait3A_34 = tpu.memref_slice %arg8[%dma_wait3A_32, %dma_wait3A_33] : memref<40x128xi32, #tpu.memory_space<vmem>> -> memref<1x128xi32, #tpu.memory_space<vmem>>
    %dma_wait3A_35 = tpu.memref_squeeze %dma_wait3A_34 : memref<1x128xi32, #tpu.memory_space<vmem>> -> memref<128xi32, #tpu.memory_space<vmem>>
    %dma_wait3A_36 = arith.constant 0 : i32
    %dma_wait3A_37 = arith.constant 0 : i32
    %dma_wait3A_38 = tpu.memref_slice %arg2[%dma_wait3A_36, %dma_wait3A_37] : memref<10000x128xf32, #tpu.memory_space<hbm>> -> memref<10000x128xf32, #tpu.memory_space<hbm>>
    tpu.wait_indirect_dma semaphore(%arg13 : memref<!tpu.dma_semaphore, #tpu.memory_space<semaphore_mem>>) src(%dma_wait3A_38 : memref<10000x128xf32, #tpu.memory_space<hbm>>) dst(%arg11 : memref<128x128xf32, #tpu.memory_space<vmem>>)
    %run_scoped3A_39 = arith.constant 39 : i32
    "tpu.region"() ({
      %run_scoped3A_84 = tpu.sem_alloc : memref<!tpu.dma_semaphore, #tpu.memory_space<semaphore_mem>>
      %dma_start3A_85 = arith.constant 0 : i32
      %dma_start3A_86 = tpu.memref_slice %arg9[%run_scoped3A_39, %dma_start3A_85] : memref<40x128xi32, #tpu.memory_space<vmem>> -> memref<1x128xi32, #tpu.memory_space<vmem>>
      %dma_start3A_87 = tpu.memref_squeeze %dma_start3A_86 : memref<1x128xi32, #tpu.memory_space<vmem>> -> memref<128xi32, #tpu.memory_space<vmem>>
      %dma_start3A_88 = arith.constant 0 : i32
      %dma_start3A_89 = arith.constant 0 : i32
      %dma_start3A_90 = tpu.memref_slice %arg7[%dma_start3A_88, %dma_start3A_89] : memref<10112x128xf32, #tpu.memory_space<vmem_shared>> -> memref<10112x128xf32, #tpu.memory_space<vmem_shared>>
      tpu.enqueue_indirect_dma source(%arg11 : memref<128x128xf32, #tpu.memory_space<vmem>>) target(%dma_start3A_90 : memref<10112x128xf32, #tpu.memory_space<vmem_shared>>) offsets(%dma_start3A_87 : memref<128xi32, #tpu.memory_space<vmem>>) semaphore(%run_scoped3A_84 : memref<!tpu.dma_semaphore, #tpu.memory_space<semaphore_mem>>) {add = true}
      %dma_wait3A_91 = arith.constant 0 : i32
      %dma_wait3A_92 = tpu.memref_slice %arg9[%run_scoped3A_39, %dma_wait3A_91] : memref<40x128xi32, #tpu.memory_space<vmem>> -> memref<1x128xi32, #tpu.memory_space<vmem>>
      %dma_wait3A_93 = tpu.memref_squeeze %dma_wait3A_92 : memref<1x128xi32, #tpu.memory_space<vmem>> -> memref<128xi32, #tpu.memory_space<vmem>>
      %dma_wait3A_94 = arith.constant 0 : i32
      %dma_wait3A_95 = arith.constant 0 : i32
      %dma_wait3A_96 = tpu.memref_slice %arg7[%dma_wait3A_94, %dma_wait3A_95] : memref<10112x128xf32, #tpu.memory_space<vmem_shared>> -> memref<10112x128xf32, #tpu.memory_space<vmem_shared>>
      tpu.wait_indirect_dma semaphore(%run_scoped3A_84 : memref<!tpu.dma_semaphore, #tpu.memory_space<semaphore_mem>>) src(%arg11 : memref<128x128xf32, #tpu.memory_space<vmem>>) dst(%dma_wait3A_96 : memref<10112x128xf32, #tpu.memory_space<vmem_shared>>)
      tpu.yield
    }) : () -> ()
    %mul3A_40 = arith.constant 80 : i32
    %mul3A_41 = arith.muli %add3A, %mul3A_40 : i32
    %add3A_42 = arith.constant 40 : i32
    %add3A_43 = arith.addi %mul3A_41, %add3A_42 : i32
    "tpu.region"() ({
      %run_scoped3A_84 = tpu.sem_alloc : memref<!tpu.dma_semaphore, #tpu.memory_space<semaphore_mem>>
      %dma_start3A_85 = arith.constant 0 : i32
      %dma_start3A_86 = tpu.memref_slice %arg3[%add3A_43, %dma_start3A_85] : memref<2560x128xi32, #tpu.memory_space<hbm>> -> memref<40x128xi32, #tpu.memory_space<hbm>>
      %dma_start3A_87 = arith.constant 0 : i32
      %dma_start3A_88 = tpu.memref_slice %arg3[%add3A_43, %dma_start3A_87] : memref<2560x128xi32, #tpu.memory_space<hbm>> -> memref<40x128xi32, #tpu.memory_space<hbm>>
      tpu.enqueue_dma source(%dma_start3A_88 : memref<40x128xi32, #tpu.memory_space<hbm>>) target(%arg8 : memref<40x128xi32, #tpu.memory_space<vmem>>) target_semaphore(%run_scoped3A_84 : memref<!tpu.dma_semaphore, #tpu.memory_space<semaphore_mem>>)
      %dma_wait3A_89 = arith.constant 0 : i32
      %dma_wait3A_90 = tpu.memref_slice %arg3[%add3A_43, %dma_wait3A_89] : memref<2560x128xi32, #tpu.memory_space<hbm>> -> memref<40x128xi32, #tpu.memory_space<hbm>>
      %dma_wait3A_91 = arith.constant 0 : i32
      %dma_wait3A_92 = tpu.memref_slice %arg3[%add3A_43, %dma_wait3A_91] : memref<2560x128xi32, #tpu.memory_space<hbm>> -> memref<40x128xi32, #tpu.memory_space<hbm>>
      tpu.wait_dma2 semaphore(%run_scoped3A_84 : memref<!tpu.dma_semaphore, #tpu.memory_space<semaphore_mem>>) src(%dma_wait3A_92 : memref<40x128xi32, #tpu.memory_space<hbm>>) dst(%arg8 : memref<40x128xi32, #tpu.memory_space<vmem>>)
      tpu.yield
    }) : () -> ()
    "tpu.region"() ({
      %run_scoped3A_84 = tpu.sem_alloc : memref<!tpu.dma_semaphore, #tpu.memory_space<semaphore_mem>>
      %dma_start3A_85 = arith.constant 0 : i32
      %dma_start3A_86 = tpu.memref_slice %arg4[%add3A_43, %dma_start3A_85] : memref<2560x128xi32, #tpu.memory_space<hbm>> -> memref<40x128xi32, #tpu.memory_space<hbm>>
      %dma_start3A_87 = arith.constant 0 : i32
      %dma_start3A_88 = tpu.memref_slice %arg4[%add3A_43, %dma_start3A_87] : memref<2560x128xi32, #tpu.memory_space<hbm>> -> memref<40x128xi32, #tpu.memory_space<hbm>>
      tpu.enqueue_dma source(%dma_start3A_88 : memref<40x128xi32, #tpu.memory_space<hbm>>) target(%arg9 : memref<40x128xi32, #tpu.memory_space<vmem>>) target_semaphore(%run_scoped3A_84 : memref<!tpu.dma_semaphore, #tpu.memory_space<semaphore_mem>>)
      %dma_wait3A_89 = arith.constant 0 : i32
      %dma_wait3A_90 = tpu.memref_slice %arg4[%add3A_43, %dma_wait3A_89] : memref<2560x128xi32, #tpu.memory_space<hbm>> -> memref<40x128xi32, #tpu.memory_space<hbm>>
      %dma_wait3A_91 = arith.constant 0 : i32
      %dma_wait3A_92 = tpu.memref_slice %arg4[%add3A_43, %dma_wait3A_91] : memref<2560x128xi32, #tpu.memory_space<hbm>> -> memref<40x128xi32, #tpu.memory_space<hbm>>
      tpu.wait_dma2 semaphore(%run_scoped3A_84 : memref<!tpu.dma_semaphore, #tpu.memory_space<semaphore_mem>>) src(%dma_wait3A_92 : memref<40x128xi32, #tpu.memory_space<hbm>>) dst(%arg9 : memref<40x128xi32, #tpu.memory_space<vmem>>)
      tpu.yield
    }) : () -> ()
    %dma_start3A_44 = arith.constant 0 : i32
    %dma_start3A_45 = arith.constant 0 : i32
    %dma_start3A_46 = tpu.memref_slice %arg8[%dma_start3A_44, %dma_start3A_45] : memref<40x128xi32, #tpu.memory_space<vmem>> -> memref<1x128xi32, #tpu.memory_space<vmem>>
    %dma_start3A_47 = tpu.memref_squeeze %dma_start3A_46 : memref<1x128xi32, #tpu.memory_space<vmem>> -> memref<128xi32, #tpu.memory_space<vmem>>
    %dma_start3A_48 = arith.constant 0 : i32
    %dma_start3A_49 = arith.constant 0 : i32
    %dma_start3A_50 = tpu.memref_slice %arg2[%dma_start3A_48, %dma_start3A_49] : memref<10000x128xf32, #tpu.memory_space<hbm>> -> memref<10000x128xf32, #tpu.memory_space<hbm>>
    tpu.enqueue_indirect_dma source(%dma_start3A_50 : memref<10000x128xf32, #tpu.memory_space<hbm>>) target(%arg10 : memref<128x128xf32, #tpu.memory_space<vmem>>) offsets(%dma_start3A_47 : memref<128xi32, #tpu.memory_space<vmem>>) semaphore(%arg12 : memref<!tpu.dma_semaphore, #tpu.memory_space<semaphore_mem>>)
    %dma_start3A_51 = arith.constant 1 : i32
    %dma_start3A_52 = arith.constant 0 : i32
    %dma_start3A_53 = tpu.memref_slice %arg8[%dma_start3A_51, %dma_start3A_52] : memref<40x128xi32, #tpu.memory_space<vmem>> -> memref<1x128xi32, #tpu.memory_space<vmem>>
    %dma_start3A_54 = tpu.memref_squeeze %dma_start3A_53 : memref<1x128xi32, #tpu.memory_space<vmem>> -> memref<128xi32, #tpu.memory_space<vmem>>
    %dma_start3A_55 = arith.constant 0 : i32
    %dma_start3A_56 = arith.constant 0 : i32
    %dma_start3A_57 = tpu.memref_slice %arg2[%dma_start3A_55, %dma_start3A_56] : memref<10000x128xf32, #tpu.memory_space<hbm>> -> memref<10000x128xf32, #tpu.memory_space<hbm>>
    tpu.enqueue_indirect_dma source(%dma_start3A_57 : memref<10000x128xf32, #tpu.memory_space<hbm>>) target(%arg11 : memref<128x128xf32, #tpu.memory_space<vmem>>) offsets(%dma_start3A_54 : memref<128xi32, #tpu.memory_space<vmem>>) semaphore(%arg13 : memref<!tpu.dma_semaphore, #tpu.memory_space<semaphore_mem>>)
    %scan3A_58 = arith.constant 0 : i32
    %scan3A_59 = arith.constant 19 : i32
    %scan3A_60 = arith.addi %scan3A_58, %scan3A_59 : i32
    %scan3A_61 = arith.constant 1 : i32
    scf.for %scan3A_84 = %scan3A_58 to %scan3A_60 step %scan3A_61  : i32 {
      %mul3A_85 = arith.constant 2 : i32
      %mul3A_86 = arith.muli %scan3A_84, %mul3A_85 : i32
      %add3A_87 = arith.constant 0 : i32
      %add3A_88 = arith.addi %add3A_87, %mul3A_86 : i32
      %dma_wait3A_89 = arith.constant 0 : i32
      %dma_wait3A_90 = tpu.memref_slice %arg8[%add3A_88, %dma_wait3A_89] : memref<40x128xi32, #tpu.memory_space<vmem>> -> memref<1x128xi32, #tpu.memory_space<vmem>>
      %dma_wait3A_91 = tpu.memref_squeeze %dma_wait3A_90 : memref<1x128xi32, #tpu.memory_space<vmem>> -> memref<128xi32, #tpu.memory_space<vmem>>
      %dma_wait3A_92 = arith.constant 0 : i32
      %dma_wait3A_93 = arith.constant 0 : i32
      %dma_wait3A_94 = tpu.memref_slice %arg2[%dma_wait3A_92, %dma_wait3A_93] : memref<10000x128xf32, #tpu.memory_space<hbm>> -> memref<10000x128xf32, #tpu.memory_space<hbm>>
      tpu.wait_indirect_dma semaphore(%arg12 : memref<!tpu.dma_semaphore, #tpu.memory_space<semaphore_mem>>) src(%dma_wait3A_94 : memref<10000x128xf32, #tpu.memory_space<hbm>>) dst(%arg10 : memref<128x128xf32, #tpu.memory_space<vmem>>)
      "tpu.region"() ({
        %run_scoped3A_119 = tpu.sem_alloc : memref<!tpu.dma_semaphore, #tpu.memory_space<semaphore_mem>>
        %dma_start3A_120 = arith.constant 0 : i32
        %dma_start3A_121 = tpu.memref_slice %arg9[%add3A_88, %dma_start3A_120] : memref<40x128xi32, #tpu.memory_space<vmem>> -> memref<1x128xi32, #tpu.memory_space<vmem>>
        %dma_start3A_122 = tpu.memref_squeeze %dma_start3A_121 : memref<1x128xi32, #tpu.memory_space<vmem>> -> memref<128xi32, #tpu.memory_space<vmem>>
        %dma_start3A_123 = arith.constant 0 : i32
        %dma_start3A_124 = arith.constant 0 : i32
        %dma_start3A_125 = tpu.memref_slice %arg7[%dma_start3A_123, %dma_start3A_124] : memref<10112x128xf32, #tpu.memory_space<vmem_shared>> -> memref<10112x128xf32, #tpu.memory_space<vmem_shared>>
        tpu.enqueue_indirect_dma source(%arg10 : memref<128x128xf32, #tpu.memory_space<vmem>>) target(%dma_start3A_125 : memref<10112x128xf32, #tpu.memory_space<vmem_shared>>) offsets(%dma_start3A_122 : memref<128xi32, #tpu.memory_space<vmem>>) semaphore(%run_scoped3A_119 : memref<!tpu.dma_semaphore, #tpu.memory_space<semaphore_mem>>) {add = true}
        %dma_wait3A_126 = arith.constant 0 : i32
        %dma_wait3A_127 = tpu.memref_slice %arg9[%add3A_88, %dma_wait3A_126] : memref<40x128xi32, #tpu.memory_space<vmem>> -> memref<1x128xi32, #tpu.memory_space<vmem>>
        %dma_wait3A_128 = tpu.memref_squeeze %dma_wait3A_127 : memref<1x128xi32, #tpu.memory_space<vmem>> -> memref<128xi32, #tpu.memory_space<vmem>>
        %dma_wait3A_129 = arith.constant 0 : i32
        %dma_wait3A_130 = arith.constant 0 : i32
        %dma_wait3A_131 = tpu.memref_slice %arg7[%dma_wait3A_129, %dma_wait3A_130] : memref<10112x128xf32, #tpu.memory_space<vmem_shared>> -> memref<10112x128xf32, #tpu.memory_space<vmem_shared>>
        tpu.wait_indirect_dma semaphore(%run_scoped3A_119 : memref<!tpu.dma_semaphore, #tpu.memory_space<semaphore_mem>>) src(%arg10 : memref<128x128xf32, #tpu.memory_space<vmem>>) dst(%dma_wait3A_131 : memref<10112x128xf32, #tpu.memory_space<vmem_shared>>)
        tpu.yield
      }) : () -> ()
      %add3A_95 = arith.constant 2 : i32
      %add3A_96 = arith.addi %add3A_88, %add3A_95 : i32
      %dma_start3A_97 = arith.constant 0 : i32
      %dma_start3A_98 = tpu.memref_slice %arg8[%add3A_96, %dma_start3A_97] : memref<40x128xi32, #tpu.memory_space<vmem>> -> memref<1x128xi32, #tpu.memory_space<vmem>>
      %dma_start3A_99 = tpu.memref_squeeze %dma_start3A_98 : memref<1x128xi32, #tpu.memory_space<vmem>> -> memref<128xi32, #tpu.memory_space<vmem>>
      %dma_start3A_100 = arith.constant 0 : i32
      %dma_start3A_101 = arith.constant 0 : i32
      %dma_start3A_102 = tpu.memref_slice %arg2[%dma_start3A_100, %dma_start3A_101] : memref<10000x128xf32, #tpu.memory_space<hbm>> -> memref<10000x128xf32, #tpu.memory_space<hbm>>
      tpu.enqueue_indirect_dma source(%dma_start3A_102 : memref<10000x128xf32, #tpu.memory_space<hbm>>) target(%arg10 : memref<128x128xf32, #tpu.memory_space<vmem>>) offsets(%dma_start3A_99 : memref<128xi32, #tpu.memory_space<vmem>>) semaphore(%arg12 : memref<!tpu.dma_semaphore, #tpu.memory_space<semaphore_mem>>)
      %dma_wait3A_103 = arith.constant 0 : i32
      %dma_wait3A_104 = tpu.memref_slice %arg8[%add3A_88, %dma_wait3A_103] : memref<40x128xi32, #tpu.memory_space<vmem>> -> memref<1x128xi32, #tpu.memory_space<vmem>>
      %dma_wait3A_105 = tpu.memref_squeeze %dma_wait3A_104 : memref<1x128xi32, #tpu.memory_space<vmem>> -> memref<128xi32, #tpu.memory_space<vmem>>
      %dma_wait3A_106 = arith.constant 0 : i32
      %dma_wait3A_107 = arith.constant 0 : i32
      %dma_wait3A_108 = tpu.memref_slice %arg2[%dma_wait3A_106, %dma_wait3A_107] : memref<10000x128xf32, #tpu.memory_space<hbm>> -> memref<10000x128xf32, #tpu.memory_space<hbm>>
      tpu.wait_indirect_dma semaphore(%arg13 : memref<!tpu.dma_semaphore, #tpu.memory_space<semaphore_mem>>) src(%dma_wait3A_108 : memref<10000x128xf32, #tpu.memory_space<hbm>>) dst(%arg11 : memref<128x128xf32, #tpu.memory_space<vmem>>)
      %add3A_109 = arith.constant 1 : i32
      %add3A_110 = arith.addi %add3A_88, %add3A_109 : i32
      "tpu.region"() ({
        %run_scoped3A_119 = tpu.sem_alloc : memref<!tpu.dma_semaphore, #tpu.memory_space<semaphore_mem>>
        %dma_start3A_120 = arith.constant 0 : i32
        %dma_start3A_121 = tpu.memref_slice %arg9[%add3A_110, %dma_start3A_120] : memref<40x128xi32, #tpu.memory_space<vmem>> -> memref<1x128xi32, #tpu.memory_space<vmem>>
        %dma_start3A_122 = tpu.memref_squeeze %dma_start3A_121 : memref<1x128xi32, #tpu.memory_space<vmem>> -> memref<128xi32, #tpu.memory_space<vmem>>
        %dma_start3A_123 = arith.constant 0 : i32
        %dma_start3A_124 = arith.constant 0 : i32
        %dma_start3A_125 = tpu.memref_slice %arg7[%dma_start3A_123, %dma_start3A_124] : memref<10112x128xf32, #tpu.memory_space<vmem_shared>> -> memref<10112x128xf32, #tpu.memory_space<vmem_shared>>
        tpu.enqueue_indirect_dma source(%arg11 : memref<128x128xf32, #tpu.memory_space<vmem>>) target(%dma_start3A_125 : memref<10112x128xf32, #tpu.memory_space<vmem_shared>>) offsets(%dma_start3A_122 : memref<128xi32, #tpu.memory_space<vmem>>) semaphore(%run_scoped3A_119 : memref<!tpu.dma_semaphore, #tpu.memory_space<semaphore_mem>>) {add = true}
        %dma_wait3A_126 = arith.constant 0 : i32
        %dma_wait3A_127 = tpu.memref_slice %arg9[%add3A_110, %dma_wait3A_126] : memref<40x128xi32, #tpu.memory_space<vmem>> -> memref<1x128xi32, #tpu.memory_space<vmem>>
        %dma_wait3A_128 = tpu.memref_squeeze %dma_wait3A_127 : memref<1x128xi32, #tpu.memory_space<vmem>> -> memref<128xi32, #tpu.memory_space<vmem>>
        %dma_wait3A_129 = arith.constant 0 : i32
        %dma_wait3A_130 = arith.constant 0 : i32
        %dma_wait3A_131 = tpu.memref_slice %arg7[%dma_wait3A_129, %dma_wait3A_130] : memref<10112x128xf32, #tpu.memory_space<vmem_shared>> -> memref<10112x128xf32, #tpu.memory_space<vmem_shared>>
        tpu.wait_indirect_dma semaphore(%run_scoped3A_119 : memref<!tpu.dma_semaphore, #tpu.memory_space<semaphore_mem>>) src(%arg11 : memref<128x128xf32, #tpu.memory_space<vmem>>) dst(%dma_wait3A_131 : memref<10112x128xf32, #tpu.memory_space<vmem_shared>>)
        tpu.yield
      }) : () -> ()
      %add3A_111 = arith.constant 3 : i32
      %add3A_112 = arith.addi %add3A_88, %add3A_111 : i32
      %dma_start3A_113 = arith.constant 0 : i32
      %dma_start3A_114 = tpu.memref_slice %arg8[%add3A_112, %dma_start3A_113] : memref<40x128xi32, #tpu.memory_space<vmem>> -> memref<1x128xi32, #tpu.memory_space<vmem>>
      %dma_start3A_115 = tpu.memref_squeeze %dma_start3A_114 : memref<1x128xi32, #tpu.memory_space<vmem>> -> memref<128xi32, #tpu.memory_space<vmem>>
      %dma_start3A_116 = arith.constant 0 : i32
      %dma_start3A_117 = arith.constant 0 : i32
      %dma_start3A_118 = tpu.memref_slice %arg2[%dma_start3A_116, %dma_start3A_117] : memref<10000x128xf32, #tpu.memory_space<hbm>> -> memref<10000x128xf32, #tpu.memory_space<hbm>>
      tpu.enqueue_indirect_dma source(%dma_start3A_118 : memref<10000x128xf32, #tpu.memory_space<hbm>>) target(%arg11 : memref<128x128xf32, #tpu.memory_space<vmem>>) offsets(%dma_start3A_115 : memref<128xi32, #tpu.memory_space<vmem>>) semaphore(%arg13 : memref<!tpu.dma_semaphore, #tpu.memory_space<semaphore_mem>>)
    }
    %scan3A_62 = arith.constant 19 : i32
    %dma_wait3A_63 = arith.constant 0 : i32
    %dma_wait3A_64 = arith.constant 0 : i32
    %dma_wait3A_65 = tpu.memref_slice %arg8[%dma_wait3A_63, %dma_wait3A_64] : memref<40x128xi32, #tpu.memory_space<vmem>> -> memref<1x128xi32, #tpu.memory_space<vmem>>
    %dma_wait3A_66 = tpu.memref_squeeze %dma_wait3A_65 : memref<1x128xi32, #tpu.memory_space<vmem>> -> memref<128xi32, #tpu.memory_space<vmem>>
    %dma_wait3A_67 = arith.constant 0 : i32
    %dma_wait3A_68 = arith.constant 0 : i32
    %dma_wait3A_69 = tpu.memref_slice %arg2[%dma_wait3A_67, %dma_wait3A_68] : memref<10000x128xf32, #tpu.memory_space<hbm>> -> memref<10000x128xf32, #tpu.memory_space<hbm>>
    tpu.wait_indirect_dma semaphore(%arg12 : memref<!tpu.dma_semaphore, #tpu.memory_space<semaphore_mem>>) src(%dma_wait3A_69 : memref<10000x128xf32, #tpu.memory_space<hbm>>) dst(%arg10 : memref<128x128xf32, #tpu.memory_space<vmem>>)
    %run_scoped3A_70 = arith.constant 38 : i32
    "tpu.region"() ({
      %run_scoped3A_84 = tpu.sem_alloc : memref<!tpu.dma_semaphore, #tpu.memory_space<semaphore_mem>>
      %dma_start3A_85 = arith.constant 0 : i32
      %dma_start3A_86 = tpu.memref_slice %arg9[%run_scoped3A_70, %dma_start3A_85] : memref<40x128xi32, #tpu.memory_space<vmem>> -> memref<1x128xi32, #tpu.memory_space<vmem>>
      %dma_start3A_87 = tpu.memref_squeeze %dma_start3A_86 : memref<1x128xi32, #tpu.memory_space<vmem>> -> memref<128xi32, #tpu.memory_space<vmem>>
      %dma_start3A_88 = arith.constant 0 : i32
      %dma_start3A_89 = arith.constant 0 : i32
      %dma_start3A_90 = tpu.memref_slice %arg7[%dma_start3A_88, %dma_start3A_89] : memref<10112x128xf32, #tpu.memory_space<vmem_shared>> -> memref<10112x128xf32, #tpu.memory_space<vmem_shared>>
      tpu.enqueue_indirect_dma source(%arg10 : memref<128x128xf32, #tpu.memory_space<vmem>>) target(%dma_start3A_90 : memref<10112x128xf32, #tpu.memory_space<vmem_shared>>) offsets(%dma_start3A_87 : memref<128xi32, #tpu.memory_space<vmem>>) semaphore(%run_scoped3A_84 : memref<!tpu.dma_semaphore, #tpu.memory_space<semaphore_mem>>) {add = true}
      %dma_wait3A_91 = arith.constant 0 : i32
      %dma_wait3A_92 = tpu.memref_slice %arg9[%run_scoped3A_70, %dma_wait3A_91] : memref<40x128xi32, #tpu.memory_space<vmem>> -> memref<1x128xi32, #tpu.memory_space<vmem>>
      %dma_wait3A_93 = tpu.memref_squeeze %dma_wait3A_92 : memref<1x128xi32, #tpu.memory_space<vmem>> -> memref<128xi32, #tpu.memory_space<vmem>>
      %dma_wait3A_94 = arith.constant 0 : i32
      %dma_wait3A_95 = arith.constant 0 : i32
      %dma_wait3A_96 = tpu.memref_slice %arg7[%dma_wait3A_94, %dma_wait3A_95] : memref<10112x128xf32, #tpu.memory_space<vmem_shared>> -> memref<10112x128xf32, #tpu.memory_space<vmem_shared>>
      tpu.wait_indirect_dma semaphore(%run_scoped3A_84 : memref<!tpu.dma_semaphore, #tpu.memory_space<semaphore_mem>>) src(%arg10 : memref<128x128xf32, #tpu.memory_space<vmem>>) dst(%dma_wait3A_96 : memref<10112x128xf32, #tpu.memory_space<vmem_shared>>)
      tpu.yield
    }) : () -> ()
    %dma_wait3A_71 = arith.constant 0 : i32
    %dma_wait3A_72 = arith.constant 0 : i32
    %dma_wait3A_73 = tpu.memref_slice %arg8[%dma_wait3A_71, %dma_wait3A_72] : memref<40x128xi32, #tpu.memory_space<vmem>> -> memref<1x128xi32, #tpu.memory_space<vmem>>
    %dma_wait3A_74 = tpu.memref_squeeze %dma_wait3A_73 : memref<1x128xi32, #tpu.memory_space<vmem>> -> memref<128xi32, #tpu.memory_space<vmem>>
    %dma_wait3A_75 = arith.constant 0 : i32
    %dma_wait3A_76 = arith.constant 0 : i32
    %dma_wait3A_77 = tpu.memref_slice %arg2[%dma_wait3A_75, %dma_wait3A_76] : memref<10000x128xf32, #tpu.memory_space<hbm>> -> memref<10000x128xf32, #tpu.memory_space<hbm>>
    tpu.wait_indirect_dma semaphore(%arg13 : memref<!tpu.dma_semaphore, #tpu.memory_space<semaphore_mem>>) src(%dma_wait3A_77 : memref<10000x128xf32, #tpu.memory_space<hbm>>) dst(%arg11 : memref<128x128xf32, #tpu.memory_space<vmem>>)
    %run_scoped3A_78 = arith.constant 39 : i32
    "tpu.region"() ({
      %run_scoped3A_84 = tpu.sem_alloc : memref<!tpu.dma_semaphore, #tpu.memory_space<semaphore_mem>>
      %dma_start3A_85 = arith.constant 0 : i32
      %dma_start3A_86 = tpu.memref_slice %arg9[%run_scoped3A_78, %dma_start3A_85] : memref<40x128xi32, #tpu.memory_space<vmem>> -> memref<1x128xi32, #tpu.memory_space<vmem>>
      %dma_start3A_87 = tpu.memref_squeeze %dma_start3A_86 : memref<1x128xi32, #tpu.memory_space<vmem>> -> memref<128xi32, #tpu.memory_space<vmem>>
      %dma_start3A_88 = arith.constant 0 : i32
      %dma_start3A_89 = arith.constant 0 : i32
      %dma_start3A_90 = tpu.memref_slice %arg7[%dma_start3A_88, %dma_start3A_89] : memref<10112x128xf32, #tpu.memory_space<vmem_shared>> -> memref<10112x128xf32, #tpu.memory_space<vmem_shared>>
      tpu.enqueue_indirect_dma source(%arg11 : memref<128x128xf32, #tpu.memory_space<vmem>>) target(%dma_start3A_90 : memref<10112x128xf32, #tpu.memory_space<vmem_shared>>) offsets(%dma_start3A_87 : memref<128xi32, #tpu.memory_space<vmem>>) semaphore(%run_scoped3A_84 : memref<!tpu.dma_semaphore, #tpu.memory_space<semaphore_mem>>) {add = true}
      %dma_wait3A_91 = arith.constant 0 : i32
      %dma_wait3A_92 = tpu.memref_slice %arg9[%run_scoped3A_78, %dma_wait3A_91] : memref<40x128xi32, #tpu.memory_space<vmem>> -> memref<1x128xi32, #tpu.memory_space<vmem>>
      %dma_wait3A_93 = tpu.memref_squeeze %dma_wait3A_92 : memref<1x128xi32, #tpu.memory_space<vmem>> -> memref<128xi32, #tpu.memory_space<vmem>>
      %dma_wait3A_94 = arith.constant 0 : i32
      %dma_wait3A_95 = arith.constant 0 : i32
      %dma_wait3A_96 = tpu.memref_slice %arg7[%dma_wait3A_94, %dma_wait3A_95] : memref<10112x128xf32, #tpu.memory_space<vmem_shared>> -> memref<10112x128xf32, #tpu.memory_space<vmem_shared>>
      tpu.wait_indirect_dma semaphore(%run_scoped3A_84 : memref<!tpu.dma_semaphore, #tpu.memory_space<semaphore_mem>>) src(%arg11 : memref<128x128xf32, #tpu.memory_space<vmem>>) dst(%dma_wait3A_96 : memref<10112x128xf32, #tpu.memory_space<vmem_shared>>)
      tpu.yield
    }) : () -> ()
    %barrier3A_79 = arith.constant 0 : index
    tpu.barrier barrier_id(%barrier3A_79)
    %mul3A_80 = arith.constant 632 : i32
    %mul3A_81 = arith.muli %arg1, %mul3A_80 : i32
    %mul3A_82 = arith.constant 632 : i32
    %mul3A_83 = arith.muli %arg1, %mul3A_82 : i32
    "tpu.region"() ({
      %run_scoped3A_84 = tpu.sem_alloc : memref<!tpu.dma_semaphore, #tpu.memory_space<semaphore_mem>>
      %dma_start3A_85 = arith.constant 0 : i32
      %dma_start3A_86 = tpu.memref_slice %arg6[%arg0, %mul3A_83, %dma_start3A_85] : memref<2x10112x128xf32, #tpu.memory_space<hbm>> -> memref<1x632x128xf32, #tpu.memory_space<hbm>>
      %dma_start3A_87 = tpu.memref_squeeze %dma_start3A_86 : memref<1x632x128xf32, #tpu.memory_space<hbm>> -> memref<632x128xf32, #tpu.memory_space<hbm>>
      %dma_start3A_88 = arith.constant 0 : i32
      %dma_start3A_89 = tpu.memref_slice %arg7[%mul3A_81, %dma_start3A_88] : memref<10112x128xf32, #tpu.memory_space<vmem_shared>> -> memref<632x128xf32, #tpu.memory_space<vmem_shared>>
      tpu.enqueue_dma source(%dma_start3A_89 : memref<632x128xf32, #tpu.memory_space<vmem_shared>>) target(%dma_start3A_87 : memref<632x128xf32, #tpu.memory_space<hbm>>) target_semaphore(%run_scoped3A_84 : memref<!tpu.dma_semaphore, #tpu.memory_space<semaphore_mem>>)
      %dma_wait3A_90 = arith.constant 0 : i32
      %dma_wait3A_91 = tpu.memref_slice %arg6[%arg0, %mul3A_83, %dma_wait3A_90] : memref<2x10112x128xf32, #tpu.memory_space<hbm>> -> memref<1x632x128xf32, #tpu.memory_space<hbm>>
      %dma_wait3A_92 = tpu.memref_squeeze %dma_wait3A_91 : memref<1x632x128xf32, #tpu.memory_space<hbm>> -> memref<632x128xf32, #tpu.memory_space<hbm>>
      %dma_wait3A_93 = arith.constant 0 : i32
      %dma_wait3A_94 = tpu.memref_slice %arg7[%mul3A_81, %dma_wait3A_93] : memref<10112x128xf32, #tpu.memory_space<vmem_shared>> -> memref<632x128xf32, #tpu.memory_space<vmem_shared>>
      tpu.wait_dma2 semaphore(%run_scoped3A_84 : memref<!tpu.dma_semaphore, #tpu.memory_space<semaphore_mem>>) src(%dma_wait3A_94 : memref<632x128xf32, #tpu.memory_space<vmem_shared>>) dst(%dma_wait3A_92 : memref<632x128xf32, #tpu.memory_space<hbm>>)
      tpu.yield
    }) : () -> ()
    return
  }
}

#map = affine_map<(d0, d1) -> (0, 0)>
#map1 = affine_map<(d0, d1) -> (0, 0, 0)>
module attributes {stable_mosaic.version = 14 : i64} {
  func.func @_sc_degree(%arg0: i32, %arg1: i32, %arg2: memref<2560x128xi32, #tpu.memory_space<hbm>>, %arg3: memref<10112x128xf32, #tpu.memory_space<hbm>>, %arg4: memref<128x128xf32, #tpu.memory_space<hbm>>, %arg5: memref<2x10112x128xf32, #tpu.memory_space<hbm>>, %arg6: memref<10112x128xf32, #tpu.memory_space<vmem_shared>>, %arg7: memref<80x128xi32, #tpu.memory_space<vmem>>, %arg8: memref<128x128xf32, #tpu.memory_space<vmem>>, %arg9: memref<!tpu.dma_semaphore, #tpu.memory_space<semaphore_mem>>) attributes {dimension_semantics = [#tpu.dimension_semantics<core_parallel>, #tpu.dimension_semantics<subcore_parallel>], iteration_bounds = array<i64: 2, 16>, scalar_prefetch = 0 : i64, scratch_operands = 4 : i64, tpu.core_type = #tpu.core_type<sc_vector_subcore>, window_params = [{transform_indices = #map}, {transform_indices = #map}, {transform_indices = #map}, {transform_indices = #map1}]} {
    %mul3A = arith.constant 2 : i32
    %mul3A_0 = arith.muli %arg1, %mul3A : i32
    %add3A = arith.addi %mul3A_0, %arg0 : i32
    %mul3A_1 = arith.constant 632 : i32
    %mul3A_2 = arith.muli %arg1, %mul3A_1 : i32
    %mul3A_3 = arith.constant 632 : i32
    %mul3A_4 = arith.muli %arg1, %mul3A_3 : i32
    "tpu.region"() ({
      %run_scoped3A = tpu.sem_alloc : memref<!tpu.dma_semaphore, #tpu.memory_space<semaphore_mem>>
      %dma_start3A_76 = arith.constant 0 : i32
      %dma_start3A_77 = tpu.memref_slice %arg6[%mul3A_4, %dma_start3A_76] : memref<10112x128xf32, #tpu.memory_space<vmem_shared>> -> memref<632x128xf32, #tpu.memory_space<vmem_shared>>
      %dma_start3A_78 = arith.constant 0 : i32
      %dma_start3A_79 = tpu.memref_slice %arg3[%mul3A_2, %dma_start3A_78] : memref<10112x128xf32, #tpu.memory_space<hbm>> -> memref<632x128xf32, #tpu.memory_space<hbm>>
      tpu.enqueue_dma source(%dma_start3A_79 : memref<632x128xf32, #tpu.memory_space<hbm>>) target(%dma_start3A_77 : memref<632x128xf32, #tpu.memory_space<vmem_shared>>) target_semaphore(%run_scoped3A : memref<!tpu.dma_semaphore, #tpu.memory_space<semaphore_mem>>)
      %dma_wait3A = arith.constant 0 : i32
      %dma_wait3A_80 = tpu.memref_slice %arg6[%mul3A_4, %dma_wait3A] : memref<10112x128xf32, #tpu.memory_space<vmem_shared>> -> memref<632x128xf32, #tpu.memory_space<vmem_shared>>
      %dma_wait3A_81 = arith.constant 0 : i32
      %dma_wait3A_82 = tpu.memref_slice %arg3[%mul3A_2, %dma_wait3A_81] : memref<10112x128xf32, #tpu.memory_space<hbm>> -> memref<632x128xf32, #tpu.memory_space<hbm>>
      tpu.wait_dma2 semaphore(%run_scoped3A : memref<!tpu.dma_semaphore, #tpu.memory_space<semaphore_mem>>) src(%dma_wait3A_82 : memref<632x128xf32, #tpu.memory_space<hbm>>) dst(%dma_wait3A_80 : memref<632x128xf32, #tpu.memory_space<vmem_shared>>)
      tpu.yield
    }) : () -> ()
    "tpu.region"() ({
      %run_scoped3A = tpu.sem_alloc : memref<!tpu.dma_semaphore, #tpu.memory_space<semaphore_mem>>
      tpu.enqueue_dma source(%arg4 : memref<128x128xf32, #tpu.memory_space<hbm>>) target(%arg8 : memref<128x128xf32, #tpu.memory_space<vmem>>) target_semaphore(%run_scoped3A : memref<!tpu.dma_semaphore, #tpu.memory_space<semaphore_mem>>)
      tpu.wait_dma2 semaphore(%run_scoped3A : memref<!tpu.dma_semaphore, #tpu.memory_space<semaphore_mem>>) src(%arg4 : memref<128x128xf32, #tpu.memory_space<hbm>>) dst(%arg8 : memref<128x128xf32, #tpu.memory_space<vmem>>)
      tpu.yield
    }) : () -> ()
    %mul3A_5 = arith.constant 80 : i32
    %mul3A_6 = arith.muli %add3A, %mul3A_5 : i32
    "tpu.region"() ({
      %run_scoped3A = tpu.sem_alloc : memref<!tpu.dma_semaphore, #tpu.memory_space<semaphore_mem>>
      %dma_start3A_76 = arith.constant 0 : i32
      %dma_start3A_77 = tpu.memref_slice %arg2[%mul3A_6, %dma_start3A_76] : memref<2560x128xi32, #tpu.memory_space<hbm>> -> memref<80x128xi32, #tpu.memory_space<hbm>>
      %dma_start3A_78 = arith.constant 0 : i32
      %dma_start3A_79 = tpu.memref_slice %arg2[%mul3A_6, %dma_start3A_78] : memref<2560x128xi32, #tpu.memory_space<hbm>> -> memref<80x128xi32, #tpu.memory_space<hbm>>
      tpu.enqueue_dma source(%dma_start3A_79 : memref<80x128xi32, #tpu.memory_space<hbm>>) target(%arg7 : memref<80x128xi32, #tpu.memory_space<vmem>>) target_semaphore(%run_scoped3A : memref<!tpu.dma_semaphore, #tpu.memory_space<semaphore_mem>>)
      %dma_wait3A = arith.constant 0 : i32
      %dma_wait3A_80 = tpu.memref_slice %arg2[%mul3A_6, %dma_wait3A] : memref<2560x128xi32, #tpu.memory_space<hbm>> -> memref<80x128xi32, #tpu.memory_space<hbm>>
      %dma_wait3A_81 = arith.constant 0 : i32
      %dma_wait3A_82 = tpu.memref_slice %arg2[%mul3A_6, %dma_wait3A_81] : memref<2560x128xi32, #tpu.memory_space<hbm>> -> memref<80x128xi32, #tpu.memory_space<hbm>>
      tpu.wait_dma2 semaphore(%run_scoped3A : memref<!tpu.dma_semaphore, #tpu.memory_space<semaphore_mem>>) src(%dma_wait3A_82 : memref<80x128xi32, #tpu.memory_space<hbm>>) dst(%arg7 : memref<80x128xi32, #tpu.memory_space<vmem>>)
      tpu.yield
    }) : () -> ()
    %barrier3A = arith.constant 0 : index
    tpu.barrier barrier_id(%barrier3A)
    %dma_start3A = arith.constant 0 : i32
    %dma_start3A_7 = arith.constant 0 : i32
    %dma_start3A_8 = tpu.memref_slice %arg7[%dma_start3A, %dma_start3A_7] : memref<80x128xi32, #tpu.memory_space<vmem>> -> memref<1x128xi32, #tpu.memory_space<vmem>>
    %dma_start3A_9 = tpu.memref_squeeze %dma_start3A_8 : memref<1x128xi32, #tpu.memory_space<vmem>> -> memref<128xi32, #tpu.memory_space<vmem>>
    %dma_start3A_10 = arith.constant 0 : i32
    %dma_start3A_11 = arith.constant 0 : i32
    %dma_start3A_12 = tpu.memref_slice %arg6[%dma_start3A_10, %dma_start3A_11] : memref<10112x128xf32, #tpu.memory_space<vmem_shared>> -> memref<10112x128xf32, #tpu.memory_space<vmem_shared>>
    tpu.enqueue_indirect_dma source(%arg8 : memref<128x128xf32, #tpu.memory_space<vmem>>) target(%dma_start3A_12 : memref<10112x128xf32, #tpu.memory_space<vmem_shared>>) offsets(%dma_start3A_9 : memref<128xi32, #tpu.memory_space<vmem>>) semaphore(%arg9 : memref<!tpu.dma_semaphore, #tpu.memory_space<semaphore_mem>>) {add = true}
    %dma_start3A_13 = arith.constant 1 : i32
    %dma_start3A_14 = arith.constant 0 : i32
    %dma_start3A_15 = tpu.memref_slice %arg7[%dma_start3A_13, %dma_start3A_14] : memref<80x128xi32, #tpu.memory_space<vmem>> -> memref<1x128xi32, #tpu.memory_space<vmem>>
    %dma_start3A_16 = tpu.memref_squeeze %dma_start3A_15 : memref<1x128xi32, #tpu.memory_space<vmem>> -> memref<128xi32, #tpu.memory_space<vmem>>
    %dma_start3A_17 = arith.constant 0 : i32
    %dma_start3A_18 = arith.constant 0 : i32
    %dma_start3A_19 = tpu.memref_slice %arg6[%dma_start3A_17, %dma_start3A_18] : memref<10112x128xf32, #tpu.memory_space<vmem_shared>> -> memref<10112x128xf32, #tpu.memory_space<vmem_shared>>
    tpu.enqueue_indirect_dma source(%arg8 : memref<128x128xf32, #tpu.memory_space<vmem>>) target(%dma_start3A_19 : memref<10112x128xf32, #tpu.memory_space<vmem_shared>>) offsets(%dma_start3A_16 : memref<128xi32, #tpu.memory_space<vmem>>) semaphore(%arg9 : memref<!tpu.dma_semaphore, #tpu.memory_space<semaphore_mem>>) {add = true}
    %dma_start3A_20 = arith.constant 2 : i32
    %dma_start3A_21 = arith.constant 0 : i32
    %dma_start3A_22 = tpu.memref_slice %arg7[%dma_start3A_20, %dma_start3A_21] : memref<80x128xi32, #tpu.memory_space<vmem>> -> memref<1x128xi32, #tpu.memory_space<vmem>>
    %dma_start3A_23 = tpu.memref_squeeze %dma_start3A_22 : memref<1x128xi32, #tpu.memory_space<vmem>> -> memref<128xi32, #tpu.memory_space<vmem>>
    %dma_start3A_24 = arith.constant 0 : i32
    %dma_start3A_25 = arith.constant 0 : i32
    %dma_start3A_26 = tpu.memref_slice %arg6[%dma_start3A_24, %dma_start3A_25] : memref<10112x128xf32, #tpu.memory_space<vmem_shared>> -> memref<10112x128xf32, #tpu.memory_space<vmem_shared>>
    tpu.enqueue_indirect_dma source(%arg8 : memref<128x128xf32, #tpu.memory_space<vmem>>) target(%dma_start3A_26 : memref<10112x128xf32, #tpu.memory_space<vmem_shared>>) offsets(%dma_start3A_23 : memref<128xi32, #tpu.memory_space<vmem>>) semaphore(%arg9 : memref<!tpu.dma_semaphore, #tpu.memory_space<semaphore_mem>>) {add = true}
    %dma_start3A_27 = arith.constant 3 : i32
    %dma_start3A_28 = arith.constant 0 : i32
    %dma_start3A_29 = tpu.memref_slice %arg7[%dma_start3A_27, %dma_start3A_28] : memref<80x128xi32, #tpu.memory_space<vmem>> -> memref<1x128xi32, #tpu.memory_space<vmem>>
    %dma_start3A_30 = tpu.memref_squeeze %dma_start3A_29 : memref<1x128xi32, #tpu.memory_space<vmem>> -> memref<128xi32, #tpu.memory_space<vmem>>
    %dma_start3A_31 = arith.constant 0 : i32
    %dma_start3A_32 = arith.constant 0 : i32
    %dma_start3A_33 = tpu.memref_slice %arg6[%dma_start3A_31, %dma_start3A_32] : memref<10112x128xf32, #tpu.memory_space<vmem_shared>> -> memref<10112x128xf32, #tpu.memory_space<vmem_shared>>
    tpu.enqueue_indirect_dma source(%arg8 : memref<128x128xf32, #tpu.memory_space<vmem>>) target(%dma_start3A_33 : memref<10112x128xf32, #tpu.memory_space<vmem_shared>>) offsets(%dma_start3A_30 : memref<128xi32, #tpu.memory_space<vmem>>) semaphore(%arg9 : memref<!tpu.dma_semaphore, #tpu.memory_space<semaphore_mem>>) {add = true}
    %dma_start3A_34 = arith.constant 4 : i32
    %dma_start3A_35 = arith.constant 0 : i32
    %dma_start3A_36 = tpu.memref_slice %arg7[%dma_start3A_34, %dma_start3A_35] : memref<80x128xi32, #tpu.memory_space<vmem>> -> memref<1x128xi32, #tpu.memory_space<vmem>>
    %dma_start3A_37 = tpu.memref_squeeze %dma_start3A_36 : memref<1x128xi32, #tpu.memory_space<vmem>> -> memref<128xi32, #tpu.memory_space<vmem>>
    %dma_start3A_38 = arith.constant 0 : i32
    %dma_start3A_39 = arith.constant 0 : i32
    %dma_start3A_40 = tpu.memref_slice %arg6[%dma_start3A_38, %dma_start3A_39] : memref<10112x128xf32, #tpu.memory_space<vmem_shared>> -> memref<10112x128xf32, #tpu.memory_space<vmem_shared>>
    tpu.enqueue_indirect_dma source(%arg8 : memref<128x128xf32, #tpu.memory_space<vmem>>) target(%dma_start3A_40 : memref<10112x128xf32, #tpu.memory_space<vmem_shared>>) offsets(%dma_start3A_37 : memref<128xi32, #tpu.memory_space<vmem>>) semaphore(%arg9 : memref<!tpu.dma_semaphore, #tpu.memory_space<semaphore_mem>>) {add = true}
    %dma_start3A_41 = arith.constant 5 : i32
    %dma_start3A_42 = arith.constant 0 : i32
    %dma_start3A_43 = tpu.memref_slice %arg7[%dma_start3A_41, %dma_start3A_42] : memref<80x128xi32, #tpu.memory_space<vmem>> -> memref<1x128xi32, #tpu.memory_space<vmem>>
    %dma_start3A_44 = tpu.memref_squeeze %dma_start3A_43 : memref<1x128xi32, #tpu.memory_space<vmem>> -> memref<128xi32, #tpu.memory_space<vmem>>
    %dma_start3A_45 = arith.constant 0 : i32
    %dma_start3A_46 = arith.constant 0 : i32
    %dma_start3A_47 = tpu.memref_slice %arg6[%dma_start3A_45, %dma_start3A_46] : memref<10112x128xf32, #tpu.memory_space<vmem_shared>> -> memref<10112x128xf32, #tpu.memory_space<vmem_shared>>
    tpu.enqueue_indirect_dma source(%arg8 : memref<128x128xf32, #tpu.memory_space<vmem>>) target(%dma_start3A_47 : memref<10112x128xf32, #tpu.memory_space<vmem_shared>>) offsets(%dma_start3A_44 : memref<128xi32, #tpu.memory_space<vmem>>) semaphore(%arg9 : memref<!tpu.dma_semaphore, #tpu.memory_space<semaphore_mem>>) {add = true}
    %dma_start3A_48 = arith.constant 6 : i32
    %dma_start3A_49 = arith.constant 0 : i32
    %dma_start3A_50 = tpu.memref_slice %arg7[%dma_start3A_48, %dma_start3A_49] : memref<80x128xi32, #tpu.memory_space<vmem>> -> memref<1x128xi32, #tpu.memory_space<vmem>>
    %dma_start3A_51 = tpu.memref_squeeze %dma_start3A_50 : memref<1x128xi32, #tpu.memory_space<vmem>> -> memref<128xi32, #tpu.memory_space<vmem>>
    %dma_start3A_52 = arith.constant 0 : i32
    %dma_start3A_53 = arith.constant 0 : i32
    %dma_start3A_54 = tpu.memref_slice %arg6[%dma_start3A_52, %dma_start3A_53] : memref<10112x128xf32, #tpu.memory_space<vmem_shared>> -> memref<10112x128xf32, #tpu.memory_space<vmem_shared>>
    tpu.enqueue_indirect_dma source(%arg8 : memref<128x128xf32, #tpu.memory_space<vmem>>) target(%dma_start3A_54 : memref<10112x128xf32, #tpu.memory_space<vmem_shared>>) offsets(%dma_start3A_51 : memref<128xi32, #tpu.memory_space<vmem>>) semaphore(%arg9 : memref<!tpu.dma_semaphore, #tpu.memory_space<semaphore_mem>>) {add = true}
    %dma_start3A_55 = arith.constant 7 : i32
    %dma_start3A_56 = arith.constant 0 : i32
    %dma_start3A_57 = tpu.memref_slice %arg7[%dma_start3A_55, %dma_start3A_56] : memref<80x128xi32, #tpu.memory_space<vmem>> -> memref<1x128xi32, #tpu.memory_space<vmem>>
    %dma_start3A_58 = tpu.memref_squeeze %dma_start3A_57 : memref<1x128xi32, #tpu.memory_space<vmem>> -> memref<128xi32, #tpu.memory_space<vmem>>
    %dma_start3A_59 = arith.constant 0 : i32
    %dma_start3A_60 = arith.constant 0 : i32
    %dma_start3A_61 = tpu.memref_slice %arg6[%dma_start3A_59, %dma_start3A_60] : memref<10112x128xf32, #tpu.memory_space<vmem_shared>> -> memref<10112x128xf32, #tpu.memory_space<vmem_shared>>
    tpu.enqueue_indirect_dma source(%arg8 : memref<128x128xf32, #tpu.memory_space<vmem>>) target(%dma_start3A_61 : memref<10112x128xf32, #tpu.memory_space<vmem_shared>>) offsets(%dma_start3A_58 : memref<128xi32, #tpu.memory_space<vmem>>) semaphore(%arg9 : memref<!tpu.dma_semaphore, #tpu.memory_space<semaphore_mem>>) {add = true}
    %scan3A = arith.constant 0 : i32
    %scan3A_62 = arith.constant 72 : i32
    %scan3A_63 = arith.addi %scan3A, %scan3A_62 : i32
    %scan3A_64 = arith.constant 1 : i32
    scf.for %scan3A_76 = %scan3A to %scan3A_63 step %scan3A_64  : i32 {
      %mul3A_77 = arith.constant 1 : i32
      %mul3A_78 = arith.muli %scan3A_76, %mul3A_77 : i32
      %add3A_79 = arith.constant 8 : i32
      %add3A_80 = arith.addi %add3A_79, %mul3A_78 : i32
      %dma_wait3A = arith.constant 0 : i32
      %dma_wait3A_81 = arith.constant 0 : i32
      %dma_wait3A_82 = tpu.memref_slice %arg7[%dma_wait3A, %dma_wait3A_81] : memref<80x128xi32, #tpu.memory_space<vmem>> -> memref<1x128xi32, #tpu.memory_space<vmem>>
      %dma_wait3A_83 = tpu.memref_squeeze %dma_wait3A_82 : memref<1x128xi32, #tpu.memory_space<vmem>> -> memref<128xi32, #tpu.memory_space<vmem>>
      %dma_wait3A_84 = arith.constant 0 : i32
      %dma_wait3A_85 = arith.constant 0 : i32
      %dma_wait3A_86 = tpu.memref_slice %arg6[%dma_wait3A_84, %dma_wait3A_85] : memref<10112x128xf32, #tpu.memory_space<vmem_shared>> -> memref<10112x128xf32, #tpu.memory_space<vmem_shared>>
      tpu.wait_indirect_dma semaphore(%arg9 : memref<!tpu.dma_semaphore, #tpu.memory_space<semaphore_mem>>) src(%arg8 : memref<128x128xf32, #tpu.memory_space<vmem>>) dst(%dma_wait3A_86 : memref<10112x128xf32, #tpu.memory_space<vmem_shared>>)
      %dma_start3A_87 = arith.constant 0 : i32
      %dma_start3A_88 = tpu.memref_slice %arg7[%add3A_80, %dma_start3A_87] : memref<80x128xi32, #tpu.memory_space<vmem>> -> memref<1x128xi32, #tpu.memory_space<vmem>>
      %dma_start3A_89 = tpu.memref_squeeze %dma_start3A_88 : memref<1x128xi32, #tpu.memory_space<vmem>> -> memref<128xi32, #tpu.memory_space<vmem>>
      %dma_start3A_90 = arith.constant 0 : i32
      %dma_start3A_91 = arith.constant 0 : i32
      %dma_start3A_92 = tpu.memref_slice %arg6[%dma_start3A_90, %dma_start3A_91] : memref<10112x128xf32, #tpu.memory_space<vmem_shared>> -> memref<10112x128xf32, #tpu.memory_space<vmem_shared>>
      tpu.enqueue_indirect_dma source(%arg8 : memref<128x128xf32, #tpu.memory_space<vmem>>) target(%dma_start3A_92 : memref<10112x128xf32, #tpu.memory_space<vmem_shared>>) offsets(%dma_start3A_89 : memref<128xi32, #tpu.memory_space<vmem>>) semaphore(%arg9 : memref<!tpu.dma_semaphore, #tpu.memory_space<semaphore_mem>>) {add = true}
    }
    %scan3A_65 = arith.constant 72 : i32
    %scan3A_66 = arith.constant 0 : i32
    %scan3A_67 = arith.constant 8 : i32
    %scan3A_68 = arith.addi %scan3A_66, %scan3A_67 : i32
    %scan3A_69 = arith.constant 1 : i32
    scf.for %scan3A_76 = %scan3A_66 to %scan3A_68 step %scan3A_69  : i32 {
      %mul3A_77 = arith.constant 1 : i32
      %mul3A_78 = arith.muli %scan3A_76, %mul3A_77 : i32
      %add3A_79 = arith.constant 0 : i32
      %add3A_80 = arith.addi %add3A_79, %mul3A_78 : i32
      %dma_wait3A = arith.constant 0 : i32
      %dma_wait3A_81 = arith.constant 0 : i32
      %dma_wait3A_82 = tpu.memref_slice %arg7[%dma_wait3A, %dma_wait3A_81] : memref<80x128xi32, #tpu.memory_space<vmem>> -> memref<1x128xi32, #tpu.memory_space<vmem>>
      %dma_wait3A_83 = tpu.memref_squeeze %dma_wait3A_82 : memref<1x128xi32, #tpu.memory_space<vmem>> -> memref<128xi32, #tpu.memory_space<vmem>>
      %dma_wait3A_84 = arith.constant 0 : i32
      %dma_wait3A_85 = arith.constant 0 : i32
      %dma_wait3A_86 = tpu.memref_slice %arg6[%dma_wait3A_84, %dma_wait3A_85] : memref<10112x128xf32, #tpu.memory_space<vmem_shared>> -> memref<10112x128xf32, #tpu.memory_space<vmem_shared>>
      tpu.wait_indirect_dma semaphore(%arg9 : memref<!tpu.dma_semaphore, #tpu.memory_space<semaphore_mem>>) src(%arg8 : memref<128x128xf32, #tpu.memory_space<vmem>>) dst(%dma_wait3A_86 : memref<10112x128xf32, #tpu.memory_space<vmem_shared>>)
    }
    %scan3A_70 = arith.constant 8 : i32
    %barrier3A_71 = arith.constant 0 : index
    tpu.barrier barrier_id(%barrier3A_71)
    %mul3A_72 = arith.constant 632 : i32
    %mul3A_73 = arith.muli %arg1, %mul3A_72 : i32
    %mul3A_74 = arith.constant 632 : i32
    %mul3A_75 = arith.muli %arg1, %mul3A_74 : i32
    "tpu.region"() ({
      %run_scoped3A = tpu.sem_alloc : memref<!tpu.dma_semaphore, #tpu.memory_space<semaphore_mem>>
      %dma_start3A_76 = arith.constant 0 : i32
      %dma_start3A_77 = tpu.memref_slice %arg5[%arg0, %mul3A_75, %dma_start3A_76] : memref<2x10112x128xf32, #tpu.memory_space<hbm>> -> memref<1x632x128xf32, #tpu.memory_space<hbm>>
      %dma_start3A_78 = tpu.memref_squeeze %dma_start3A_77 : memref<1x632x128xf32, #tpu.memory_space<hbm>> -> memref<632x128xf32, #tpu.memory_space<hbm>>
      %dma_start3A_79 = arith.constant 0 : i32
      %dma_start3A_80 = tpu.memref_slice %arg6[%mul3A_73, %dma_start3A_79] : memref<10112x128xf32, #tpu.memory_space<vmem_shared>> -> memref<632x128xf32, #tpu.memory_space<vmem_shared>>
      tpu.enqueue_dma source(%dma_start3A_80 : memref<632x128xf32, #tpu.memory_space<vmem_shared>>) target(%dma_start3A_78 : memref<632x128xf32, #tpu.memory_space<hbm>>) target_semaphore(%run_scoped3A : memref<!tpu.dma_semaphore, #tpu.memory_space<semaphore_mem>>)
      %dma_wait3A = arith.constant 0 : i32
      %dma_wait3A_81 = tpu.memref_slice %arg5[%arg0, %mul3A_75, %dma_wait3A] : memref<2x10112x128xf32, #tpu.memory_space<hbm>> -> memref<1x632x128xf32, #tpu.memory_space<hbm>>
      %dma_wait3A_82 = tpu.memref_squeeze %dma_wait3A_81 : memref<1x632x128xf32, #tpu.memory_space<hbm>> -> memref<632x128xf32, #tpu.memory_space<hbm>>
      %dma_wait3A_83 = arith.constant 0 : i32
      %dma_wait3A_84 = tpu.memref_slice %arg6[%mul3A_73, %dma_wait3A_83] : memref<10112x128xf32, #tpu.memory_space<vmem_shared>> -> memref<632x128xf32, #tpu.memory_space<vmem_shared>>
      tpu.wait_dma2 semaphore(%run_scoped3A : memref<!tpu.dma_semaphore, #tpu.memory_space<semaphore_mem>>) src(%dma_wait3A_84 : memref<632x128xf32, #tpu.memory_space<vmem_shared>>) dst(%dma_wait3A_82 : memref<632x128xf32, #tpu.memory_space<hbm>>)
      tpu.yield
    }) : () -> ()
    return
  }
}

#map = affine_map<(d0, d1) -> (0, 0)>
#map1 = affine_map<(d0, d1) -> (0, 0, 0)>
module attributes {stable_mosaic.version = 14 : i64} {
  func.func @_sc_prop(%arg0: i32, %arg1: i32, %arg2: memref<10000x128xf32, #tpu.memory_space<hbm>>, %arg3: memref<2560x128xi32, #tpu.memory_space<hbm>>, %arg4: memref<2560x128xi32, #tpu.memory_space<hbm>>, %arg5: memref<10112x128xf32, #tpu.memory_space<hbm>>, %arg6: memref<2x10112x128xf32, #tpu.memory_space<hbm>>, %arg7: memref<10112x128xf32, #tpu.memory_space<vmem_shared>>, %arg8: memref<40x128xi32, #tpu.memory_space<vmem>>, %arg9: memref<40x128xi32, #tpu.memory_space<vmem>>, %arg10: memref<128x128xf32, #tpu.memory_space<vmem>>, %arg11: memref<128x128xf32, #tpu.memory_space<vmem>>, %arg12: memref<!tpu.dma_semaphore, #tpu.memory_space<semaphore_mem>>, %arg13: memref<!tpu.dma_semaphore, #tpu.memory_space<semaphore_mem>>) attributes {dimension_semantics = [#tpu.dimension_semantics<core_parallel>, #tpu.dimension_semantics<subcore_parallel>], iteration_bounds = array<i64: 2, 16>, scalar_prefetch = 0 : i64, scratch_operands = 7 : i64, tpu.core_type = #tpu.core_type<sc_vector_subcore>, window_params = [{transform_indices = #map}, {transform_indices = #map}, {transform_indices = #map}, {transform_indices = #map}, {transform_indices = #map1}]} {
    %mul3A = arith.constant 2 : i32
    %mul3A_0 = arith.muli %arg1, %mul3A : i32
    %add3A = arith.addi %mul3A_0, %arg0 : i32
    %mul3A_1 = arith.constant 632 : i32
    %mul3A_2 = arith.muli %arg1, %mul3A_1 : i32
    %mul3A_3 = arith.constant 632 : i32
    %mul3A_4 = arith.muli %arg1, %mul3A_3 : i32
    "tpu.region"() ({
      %run_scoped3A_84 = tpu.sem_alloc : memref<!tpu.dma_semaphore, #tpu.memory_space<semaphore_mem>>
      %dma_start3A_85 = arith.constant 0 : i32
      %dma_start3A_86 = tpu.memref_slice %arg7[%mul3A_4, %dma_start3A_85] : memref<10112x128xf32, #tpu.memory_space<vmem_shared>> -> memref<632x128xf32, #tpu.memory_space<vmem_shared>>
      %dma_start3A_87 = arith.constant 0 : i32
      %dma_start3A_88 = tpu.memref_slice %arg5[%mul3A_2, %dma_start3A_87] : memref<10112x128xf32, #tpu.memory_space<hbm>> -> memref<632x128xf32, #tpu.memory_space<hbm>>
      tpu.enqueue_dma source(%dma_start3A_88 : memref<632x128xf32, #tpu.memory_space<hbm>>) target(%dma_start3A_86 : memref<632x128xf32, #tpu.memory_space<vmem_shared>>) target_semaphore(%run_scoped3A_84 : memref<!tpu.dma_semaphore, #tpu.memory_space<semaphore_mem>>)
      %dma_wait3A_89 = arith.constant 0 : i32
      %dma_wait3A_90 = tpu.memref_slice %arg7[%mul3A_4, %dma_wait3A_89] : memref<10112x128xf32, #tpu.memory_space<vmem_shared>> -> memref<632x128xf32, #tpu.memory_space<vmem_shared>>
      %dma_wait3A_91 = arith.constant 0 : i32
      %dma_wait3A_92 = tpu.memref_slice %arg5[%mul3A_2, %dma_wait3A_91] : memref<10112x128xf32, #tpu.memory_space<hbm>> -> memref<632x128xf32, #tpu.memory_space<hbm>>
      tpu.wait_dma2 semaphore(%run_scoped3A_84 : memref<!tpu.dma_semaphore, #tpu.memory_space<semaphore_mem>>) src(%dma_wait3A_92 : memref<632x128xf32, #tpu.memory_space<hbm>>) dst(%dma_wait3A_90 : memref<632x128xf32, #tpu.memory_space<vmem_shared>>)
      tpu.yield
    }) : () -> ()
    %barrier3A = arith.constant 0 : index
    tpu.barrier barrier_id(%barrier3A)
    %mul3A_5 = arith.constant 80 : i32
    %mul3A_6 = arith.muli %add3A, %mul3A_5 : i32
    %add3A_7 = arith.constant 0 : i32
    %add3A_8 = arith.addi %mul3A_6, %add3A_7 : i32
    "tpu.region"() ({
      %run_scoped3A_84 = tpu.sem_alloc : memref<!tpu.dma_semaphore, #tpu.memory_space<semaphore_mem>>
      %dma_start3A_85 = arith.constant 0 : i32
      %dma_start3A_86 = tpu.memref_slice %arg3[%add3A_8, %dma_start3A_85] : memref<2560x128xi32, #tpu.memory_space<hbm>> -> memref<40x128xi32, #tpu.memory_space<hbm>>
      %dma_start3A_87 = arith.constant 0 : i32
      %dma_start3A_88 = tpu.memref_slice %arg3[%add3A_8, %dma_start3A_87] : memref<2560x128xi32, #tpu.memory_space<hbm>> -> memref<40x128xi32, #tpu.memory_space<hbm>>
      tpu.enqueue_dma source(%dma_start3A_88 : memref<40x128xi32, #tpu.memory_space<hbm>>) target(%arg8 : memref<40x128xi32, #tpu.memory_space<vmem>>) target_semaphore(%run_scoped3A_84 : memref<!tpu.dma_semaphore, #tpu.memory_space<semaphore_mem>>)
      %dma_wait3A_89 = arith.constant 0 : i32
      %dma_wait3A_90 = tpu.memref_slice %arg3[%add3A_8, %dma_wait3A_89] : memref<2560x128xi32, #tpu.memory_space<hbm>> -> memref<40x128xi32, #tpu.memory_space<hbm>>
      %dma_wait3A_91 = arith.constant 0 : i32
      %dma_wait3A_92 = tpu.memref_slice %arg3[%add3A_8, %dma_wait3A_91] : memref<2560x128xi32, #tpu.memory_space<hbm>> -> memref<40x128xi32, #tpu.memory_space<hbm>>
      tpu.wait_dma2 semaphore(%run_scoped3A_84 : memref<!tpu.dma_semaphore, #tpu.memory_space<semaphore_mem>>) src(%dma_wait3A_92 : memref<40x128xi32, #tpu.memory_space<hbm>>) dst(%arg8 : memref<40x128xi32, #tpu.memory_space<vmem>>)
      tpu.yield
    }) : () -> ()
    "tpu.region"() ({
      %run_scoped3A_84 = tpu.sem_alloc : memref<!tpu.dma_semaphore, #tpu.memory_space<semaphore_mem>>
      %dma_start3A_85 = arith.constant 0 : i32
      %dma_start3A_86 = tpu.memref_slice %arg4[%add3A_8, %dma_start3A_85] : memref<2560x128xi32, #tpu.memory_space<hbm>> -> memref<40x128xi32, #tpu.memory_space<hbm>>
      %dma_start3A_87 = arith.constant 0 : i32
      %dma_start3A_88 = tpu.memref_slice %arg4[%add3A_8, %dma_start3A_87] : memref<2560x128xi32, #tpu.memory_space<hbm>> -> memref<40x128xi32, #tpu.memory_space<hbm>>
      tpu.enqueue_dma source(%dma_start3A_88 : memref<40x128xi32, #tpu.memory_space<hbm>>) target(%arg9 : memref<40x128xi32, #tpu.memory_space<vmem>>) target_semaphore(%run_scoped3A_84 : memref<!tpu.dma_semaphore, #tpu.memory_space<semaphore_mem>>)
      %dma_wait3A_89 = arith.constant 0 : i32
      %dma_wait3A_90 = tpu.memref_slice %arg4[%add3A_8, %dma_wait3A_89] : memref<2560x128xi32, #tpu.memory_space<hbm>> -> memref<40x128xi32, #tpu.memory_space<hbm>>
      %dma_wait3A_91 = arith.constant 0 : i32
      %dma_wait3A_92 = tpu.memref_slice %arg4[%add3A_8, %dma_wait3A_91] : memref<2560x128xi32, #tpu.memory_space<hbm>> -> memref<40x128xi32, #tpu.memory_space<hbm>>
      tpu.wait_dma2 semaphore(%run_scoped3A_84 : memref<!tpu.dma_semaphore, #tpu.memory_space<semaphore_mem>>) src(%dma_wait3A_92 : memref<40x128xi32, #tpu.memory_space<hbm>>) dst(%arg9 : memref<40x128xi32, #tpu.memory_space<vmem>>)
      tpu.yield
    }) : () -> ()
    %dma_start3A = arith.constant 0 : i32
    %dma_start3A_9 = arith.constant 0 : i32
    %dma_start3A_10 = tpu.memref_slice %arg8[%dma_start3A, %dma_start3A_9] : memref<40x128xi32, #tpu.memory_space<vmem>> -> memref<1x128xi32, #tpu.memory_space<vmem>>
    %dma_start3A_11 = tpu.memref_squeeze %dma_start3A_10 : memref<1x128xi32, #tpu.memory_space<vmem>> -> memref<128xi32, #tpu.memory_space<vmem>>
    %dma_start3A_12 = arith.constant 0 : i32
    %dma_start3A_13 = arith.constant 0 : i32
    %dma_start3A_14 = tpu.memref_slice %arg2[%dma_start3A_12, %dma_start3A_13] : memref<10000x128xf32, #tpu.memory_space<hbm>> -> memref<10000x128xf32, #tpu.memory_space<hbm>>
    tpu.enqueue_indirect_dma source(%dma_start3A_14 : memref<10000x128xf32, #tpu.memory_space<hbm>>) target(%arg10 : memref<128x128xf32, #tpu.memory_space<vmem>>) offsets(%dma_start3A_11 : memref<128xi32, #tpu.memory_space<vmem>>) semaphore(%arg12 : memref<!tpu.dma_semaphore, #tpu.memory_space<semaphore_mem>>)
    %dma_start3A_15 = arith.constant 1 : i32
    %dma_start3A_16 = arith.constant 0 : i32
    %dma_start3A_17 = tpu.memref_slice %arg8[%dma_start3A_15, %dma_start3A_16] : memref<40x128xi32, #tpu.memory_space<vmem>> -> memref<1x128xi32, #tpu.memory_space<vmem>>
    %dma_start3A_18 = tpu.memref_squeeze %dma_start3A_17 : memref<1x128xi32, #tpu.memory_space<vmem>> -> memref<128xi32, #tpu.memory_space<vmem>>
    %dma_start3A_19 = arith.constant 0 : i32
    %dma_start3A_20 = arith.constant 0 : i32
    %dma_start3A_21 = tpu.memref_slice %arg2[%dma_start3A_19, %dma_start3A_20] : memref<10000x128xf32, #tpu.memory_space<hbm>> -> memref<10000x128xf32, #tpu.memory_space<hbm>>
    tpu.enqueue_indirect_dma source(%dma_start3A_21 : memref<10000x128xf32, #tpu.memory_space<hbm>>) target(%arg11 : memref<128x128xf32, #tpu.memory_space<vmem>>) offsets(%dma_start3A_18 : memref<128xi32, #tpu.memory_space<vmem>>) semaphore(%arg13 : memref<!tpu.dma_semaphore, #tpu.memory_space<semaphore_mem>>)
    %scan3A = arith.constant 0 : i32
    %scan3A_22 = arith.constant 19 : i32
    %scan3A_23 = arith.addi %scan3A, %scan3A_22 : i32
    %scan3A_24 = arith.constant 1 : i32
    scf.for %scan3A_84 = %scan3A to %scan3A_23 step %scan3A_24  : i32 {
      %mul3A_85 = arith.constant 2 : i32
      %mul3A_86 = arith.muli %scan3A_84, %mul3A_85 : i32
      %add3A_87 = arith.constant 0 : i32
      %add3A_88 = arith.addi %add3A_87, %mul3A_86 : i32
      %dma_wait3A_89 = arith.constant 0 : i32
      %dma_wait3A_90 = tpu.memref_slice %arg8[%add3A_88, %dma_wait3A_89] : memref<40x128xi32, #tpu.memory_space<vmem>> -> memref<1x128xi32, #tpu.memory_space<vmem>>
      %dma_wait3A_91 = tpu.memref_squeeze %dma_wait3A_90 : memref<1x128xi32, #tpu.memory_space<vmem>> -> memref<128xi32, #tpu.memory_space<vmem>>
      %dma_wait3A_92 = arith.constant 0 : i32
      %dma_wait3A_93 = arith.constant 0 : i32
      %dma_wait3A_94 = tpu.memref_slice %arg2[%dma_wait3A_92, %dma_wait3A_93] : memref<10000x128xf32, #tpu.memory_space<hbm>> -> memref<10000x128xf32, #tpu.memory_space<hbm>>
      tpu.wait_indirect_dma semaphore(%arg12 : memref<!tpu.dma_semaphore, #tpu.memory_space<semaphore_mem>>) src(%dma_wait3A_94 : memref<10000x128xf32, #tpu.memory_space<hbm>>) dst(%arg10 : memref<128x128xf32, #tpu.memory_space<vmem>>)
      "tpu.region"() ({
        %run_scoped3A_119 = tpu.sem_alloc : memref<!tpu.dma_semaphore, #tpu.memory_space<semaphore_mem>>
        %dma_start3A_120 = arith.constant 0 : i32
        %dma_start3A_121 = tpu.memref_slice %arg9[%add3A_88, %dma_start3A_120] : memref<40x128xi32, #tpu.memory_space<vmem>> -> memref<1x128xi32, #tpu.memory_space<vmem>>
        %dma_start3A_122 = tpu.memref_squeeze %dma_start3A_121 : memref<1x128xi32, #tpu.memory_space<vmem>> -> memref<128xi32, #tpu.memory_space<vmem>>
        %dma_start3A_123 = arith.constant 0 : i32
        %dma_start3A_124 = arith.constant 0 : i32
        %dma_start3A_125 = tpu.memref_slice %arg7[%dma_start3A_123, %dma_start3A_124] : memref<10112x128xf32, #tpu.memory_space<vmem_shared>> -> memref<10112x128xf32, #tpu.memory_space<vmem_shared>>
        tpu.enqueue_indirect_dma source(%arg10 : memref<128x128xf32, #tpu.memory_space<vmem>>) target(%dma_start3A_125 : memref<10112x128xf32, #tpu.memory_space<vmem_shared>>) offsets(%dma_start3A_122 : memref<128xi32, #tpu.memory_space<vmem>>) semaphore(%run_scoped3A_119 : memref<!tpu.dma_semaphore, #tpu.memory_space<semaphore_mem>>) {add = true}
        %dma_wait3A_126 = arith.constant 0 : i32
        %dma_wait3A_127 = tpu.memref_slice %arg9[%add3A_88, %dma_wait3A_126] : memref<40x128xi32, #tpu.memory_space<vmem>> -> memref<1x128xi32, #tpu.memory_space<vmem>>
        %dma_wait3A_128 = tpu.memref_squeeze %dma_wait3A_127 : memref<1x128xi32, #tpu.memory_space<vmem>> -> memref<128xi32, #tpu.memory_space<vmem>>
        %dma_wait3A_129 = arith.constant 0 : i32
        %dma_wait3A_130 = arith.constant 0 : i32
        %dma_wait3A_131 = tpu.memref_slice %arg7[%dma_wait3A_129, %dma_wait3A_130] : memref<10112x128xf32, #tpu.memory_space<vmem_shared>> -> memref<10112x128xf32, #tpu.memory_space<vmem_shared>>
        tpu.wait_indirect_dma semaphore(%run_scoped3A_119 : memref<!tpu.dma_semaphore, #tpu.memory_space<semaphore_mem>>) src(%arg10 : memref<128x128xf32, #tpu.memory_space<vmem>>) dst(%dma_wait3A_131 : memref<10112x128xf32, #tpu.memory_space<vmem_shared>>)
        tpu.yield
      }) : () -> ()
      %add3A_95 = arith.constant 2 : i32
      %add3A_96 = arith.addi %add3A_88, %add3A_95 : i32
      %dma_start3A_97 = arith.constant 0 : i32
      %dma_start3A_98 = tpu.memref_slice %arg8[%add3A_96, %dma_start3A_97] : memref<40x128xi32, #tpu.memory_space<vmem>> -> memref<1x128xi32, #tpu.memory_space<vmem>>
      %dma_start3A_99 = tpu.memref_squeeze %dma_start3A_98 : memref<1x128xi32, #tpu.memory_space<vmem>> -> memref<128xi32, #tpu.memory_space<vmem>>
      %dma_start3A_100 = arith.constant 0 : i32
      %dma_start3A_101 = arith.constant 0 : i32
      %dma_start3A_102 = tpu.memref_slice %arg2[%dma_start3A_100, %dma_start3A_101] : memref<10000x128xf32, #tpu.memory_space<hbm>> -> memref<10000x128xf32, #tpu.memory_space<hbm>>
      tpu.enqueue_indirect_dma source(%dma_start3A_102 : memref<10000x128xf32, #tpu.memory_space<hbm>>) target(%arg10 : memref<128x128xf32, #tpu.memory_space<vmem>>) offsets(%dma_start3A_99 : memref<128xi32, #tpu.memory_space<vmem>>) semaphore(%arg12 : memref<!tpu.dma_semaphore, #tpu.memory_space<semaphore_mem>>)
      %dma_wait3A_103 = arith.constant 0 : i32
      %dma_wait3A_104 = tpu.memref_slice %arg8[%add3A_88, %dma_wait3A_103] : memref<40x128xi32, #tpu.memory_space<vmem>> -> memref<1x128xi32, #tpu.memory_space<vmem>>
      %dma_wait3A_105 = tpu.memref_squeeze %dma_wait3A_104 : memref<1x128xi32, #tpu.memory_space<vmem>> -> memref<128xi32, #tpu.memory_space<vmem>>
      %dma_wait3A_106 = arith.constant 0 : i32
      %dma_wait3A_107 = arith.constant 0 : i32
      %dma_wait3A_108 = tpu.memref_slice %arg2[%dma_wait3A_106, %dma_wait3A_107] : memref<10000x128xf32, #tpu.memory_space<hbm>> -> memref<10000x128xf32, #tpu.memory_space<hbm>>
      tpu.wait_indirect_dma semaphore(%arg13 : memref<!tpu.dma_semaphore, #tpu.memory_space<semaphore_mem>>) src(%dma_wait3A_108 : memref<10000x128xf32, #tpu.memory_space<hbm>>) dst(%arg11 : memref<128x128xf32, #tpu.memory_space<vmem>>)
      %add3A_109 = arith.constant 1 : i32
      %add3A_110 = arith.addi %add3A_88, %add3A_109 : i32
      "tpu.region"() ({
        %run_scoped3A_119 = tpu.sem_alloc : memref<!tpu.dma_semaphore, #tpu.memory_space<semaphore_mem>>
        %dma_start3A_120 = arith.constant 0 : i32
        %dma_start3A_121 = tpu.memref_slice %arg9[%add3A_110, %dma_start3A_120] : memref<40x128xi32, #tpu.memory_space<vmem>> -> memref<1x128xi32, #tpu.memory_space<vmem>>
        %dma_start3A_122 = tpu.memref_squeeze %dma_start3A_121 : memref<1x128xi32, #tpu.memory_space<vmem>> -> memref<128xi32, #tpu.memory_space<vmem>>
        %dma_start3A_123 = arith.constant 0 : i32
        %dma_start3A_124 = arith.constant 0 : i32
        %dma_start3A_125 = tpu.memref_slice %arg7[%dma_start3A_123, %dma_start3A_124] : memref<10112x128xf32, #tpu.memory_space<vmem_shared>> -> memref<10112x128xf32, #tpu.memory_space<vmem_shared>>
        tpu.enqueue_indirect_dma source(%arg11 : memref<128x128xf32, #tpu.memory_space<vmem>>) target(%dma_start3A_125 : memref<10112x128xf32, #tpu.memory_space<vmem_shared>>) offsets(%dma_start3A_122 : memref<128xi32, #tpu.memory_space<vmem>>) semaphore(%run_scoped3A_119 : memref<!tpu.dma_semaphore, #tpu.memory_space<semaphore_mem>>) {add = true}
        %dma_wait3A_126 = arith.constant 0 : i32
        %dma_wait3A_127 = tpu.memref_slice %arg9[%add3A_110, %dma_wait3A_126] : memref<40x128xi32, #tpu.memory_space<vmem>> -> memref<1x128xi32, #tpu.memory_space<vmem>>
        %dma_wait3A_128 = tpu.memref_squeeze %dma_wait3A_127 : memref<1x128xi32, #tpu.memory_space<vmem>> -> memref<128xi32, #tpu.memory_space<vmem>>
        %dma_wait3A_129 = arith.constant 0 : i32
        %dma_wait3A_130 = arith.constant 0 : i32
        %dma_wait3A_131 = tpu.memref_slice %arg7[%dma_wait3A_129, %dma_wait3A_130] : memref<10112x128xf32, #tpu.memory_space<vmem_shared>> -> memref<10112x128xf32, #tpu.memory_space<vmem_shared>>
        tpu.wait_indirect_dma semaphore(%run_scoped3A_119 : memref<!tpu.dma_semaphore, #tpu.memory_space<semaphore_mem>>) src(%arg11 : memref<128x128xf32, #tpu.memory_space<vmem>>) dst(%dma_wait3A_131 : memref<10112x128xf32, #tpu.memory_space<vmem_shared>>)
        tpu.yield
      }) : () -> ()
      %add3A_111 = arith.constant 3 : i32
      %add3A_112 = arith.addi %add3A_88, %add3A_111 : i32
      %dma_start3A_113 = arith.constant 0 : i32
      %dma_start3A_114 = tpu.memref_slice %arg8[%add3A_112, %dma_start3A_113] : memref<40x128xi32, #tpu.memory_space<vmem>> -> memref<1x128xi32, #tpu.memory_space<vmem>>
      %dma_start3A_115 = tpu.memref_squeeze %dma_start3A_114 : memref<1x128xi32, #tpu.memory_space<vmem>> -> memref<128xi32, #tpu.memory_space<vmem>>
      %dma_start3A_116 = arith.constant 0 : i32
      %dma_start3A_117 = arith.constant 0 : i32
      %dma_start3A_118 = tpu.memref_slice %arg2[%dma_start3A_116, %dma_start3A_117] : memref<10000x128xf32, #tpu.memory_space<hbm>> -> memref<10000x128xf32, #tpu.memory_space<hbm>>
      tpu.enqueue_indirect_dma source(%dma_start3A_118 : memref<10000x128xf32, #tpu.memory_space<hbm>>) target(%arg11 : memref<128x128xf32, #tpu.memory_space<vmem>>) offsets(%dma_start3A_115 : memref<128xi32, #tpu.memory_space<vmem>>) semaphore(%arg13 : memref<!tpu.dma_semaphore, #tpu.memory_space<semaphore_mem>>)
    }
    %scan3A_25 = arith.constant 19 : i32
    %dma_wait3A = arith.constant 0 : i32
    %dma_wait3A_26 = arith.constant 0 : i32
    %dma_wait3A_27 = tpu.memref_slice %arg8[%dma_wait3A, %dma_wait3A_26] : memref<40x128xi32, #tpu.memory_space<vmem>> -> memref<1x128xi32, #tpu.memory_space<vmem>>
    %dma_wait3A_28 = tpu.memref_squeeze %dma_wait3A_27 : memref<1x128xi32, #tpu.memory_space<vmem>> -> memref<128xi32, #tpu.memory_space<vmem>>
    %dma_wait3A_29 = arith.constant 0 : i32
    %dma_wait3A_30 = arith.constant 0 : i32
    %dma_wait3A_31 = tpu.memref_slice %arg2[%dma_wait3A_29, %dma_wait3A_30] : memref<10000x128xf32, #tpu.memory_space<hbm>> -> memref<10000x128xf32, #tpu.memory_space<hbm>>
    tpu.wait_indirect_dma semaphore(%arg12 : memref<!tpu.dma_semaphore, #tpu.memory_space<semaphore_mem>>) src(%dma_wait3A_31 : memref<10000x128xf32, #tpu.memory_space<hbm>>) dst(%arg10 : memref<128x128xf32, #tpu.memory_space<vmem>>)
    %run_scoped3A = arith.constant 38 : i32
    "tpu.region"() ({
      %run_scoped3A_84 = tpu.sem_alloc : memref<!tpu.dma_semaphore, #tpu.memory_space<semaphore_mem>>
      %dma_start3A_85 = arith.constant 0 : i32
      %dma_start3A_86 = tpu.memref_slice %arg9[%run_scoped3A, %dma_start3A_85] : memref<40x128xi32, #tpu.memory_space<vmem>> -> memref<1x128xi32, #tpu.memory_space<vmem>>
      %dma_start3A_87 = tpu.memref_squeeze %dma_start3A_86 : memref<1x128xi32, #tpu.memory_space<vmem>> -> memref<128xi32, #tpu.memory_space<vmem>>
      %dma_start3A_88 = arith.constant 0 : i32
      %dma_start3A_89 = arith.constant 0 : i32
      %dma_start3A_90 = tpu.memref_slice %arg7[%dma_start3A_88, %dma_start3A_89] : memref<10112x128xf32, #tpu.memory_space<vmem_shared>> -> memref<10112x128xf32, #tpu.memory_space<vmem_shared>>
      tpu.enqueue_indirect_dma source(%arg10 : memref<128x128xf32, #tpu.memory_space<vmem>>) target(%dma_start3A_90 : memref<10112x128xf32, #tpu.memory_space<vmem_shared>>) offsets(%dma_start3A_87 : memref<128xi32, #tpu.memory_space<vmem>>) semaphore(%run_scoped3A_84 : memref<!tpu.dma_semaphore, #tpu.memory_space<semaphore_mem>>) {add = true}
      %dma_wait3A_91 = arith.constant 0 : i32
      %dma_wait3A_92 = tpu.memref_slice %arg9[%run_scoped3A, %dma_wait3A_91] : memref<40x128xi32, #tpu.memory_space<vmem>> -> memref<1x128xi32, #tpu.memory_space<vmem>>
      %dma_wait3A_93 = tpu.memref_squeeze %dma_wait3A_92 : memref<1x128xi32, #tpu.memory_space<vmem>> -> memref<128xi32, #tpu.memory_space<vmem>>
      %dma_wait3A_94 = arith.constant 0 : i32
      %dma_wait3A_95 = arith.constant 0 : i32
      %dma_wait3A_96 = tpu.memref_slice %arg7[%dma_wait3A_94, %dma_wait3A_95] : memref<10112x128xf32, #tpu.memory_space<vmem_shared>> -> memref<10112x128xf32, #tpu.memory_space<vmem_shared>>
      tpu.wait_indirect_dma semaphore(%run_scoped3A_84 : memref<!tpu.dma_semaphore, #tpu.memory_space<semaphore_mem>>) src(%arg10 : memref<128x128xf32, #tpu.memory_space<vmem>>) dst(%dma_wait3A_96 : memref<10112x128xf32, #tpu.memory_space<vmem_shared>>)
      tpu.yield
    }) : () -> ()
    %dma_wait3A_32 = arith.constant 0 : i32
    %dma_wait3A_33 = arith.constant 0 : i32
    %dma_wait3A_34 = tpu.memref_slice %arg8[%dma_wait3A_32, %dma_wait3A_33] : memref<40x128xi32, #tpu.memory_space<vmem>> -> memref<1x128xi32, #tpu.memory_space<vmem>>
    %dma_wait3A_35 = tpu.memref_squeeze %dma_wait3A_34 : memref<1x128xi32, #tpu.memory_space<vmem>> -> memref<128xi32, #tpu.memory_space<vmem>>
    %dma_wait3A_36 = arith.constant 0 : i32
    %dma_wait3A_37 = arith.constant 0 : i32
    %dma_wait3A_38 = tpu.memref_slice %arg2[%dma_wait3A_36, %dma_wait3A_37] : memref<10000x128xf32, #tpu.memory_space<hbm>> -> memref<10000x128xf32, #tpu.memory_space<hbm>>
    tpu.wait_indirect_dma semaphore(%arg13 : memref<!tpu.dma_semaphore, #tpu.memory_space<semaphore_mem>>) src(%dma_wait3A_38 : memref<10000x128xf32, #tpu.memory_space<hbm>>) dst(%arg11 : memref<128x128xf32, #tpu.memory_space<vmem>>)
    %run_scoped3A_39 = arith.constant 39 : i32
    "tpu.region"() ({
      %run_scoped3A_84 = tpu.sem_alloc : memref<!tpu.dma_semaphore, #tpu.memory_space<semaphore_mem>>
      %dma_start3A_85 = arith.constant 0 : i32
      %dma_start3A_86 = tpu.memref_slice %arg9[%run_scoped3A_39, %dma_start3A_85] : memref<40x128xi32, #tpu.memory_space<vmem>> -> memref<1x128xi32, #tpu.memory_space<vmem>>
      %dma_start3A_87 = tpu.memref_squeeze %dma_start3A_86 : memref<1x128xi32, #tpu.memory_space<vmem>> -> memref<128xi32, #tpu.memory_space<vmem>>
      %dma_start3A_88 = arith.constant 0 : i32
      %dma_start3A_89 = arith.constant 0 : i32
      %dma_start3A_90 = tpu.memref_slice %arg7[%dma_start3A_88, %dma_start3A_89] : memref<10112x128xf32, #tpu.memory_space<vmem_shared>> -> memref<10112x128xf32, #tpu.memory_space<vmem_shared>>
      tpu.enqueue_indirect_dma source(%arg11 : memref<128x128xf32, #tpu.memory_space<vmem>>) target(%dma_start3A_90 : memref<10112x128xf32, #tpu.memory_space<vmem_shared>>) offsets(%dma_start3A_87 : memref<128xi32, #tpu.memory_space<vmem>>) semaphore(%run_scoped3A_84 : memref<!tpu.dma_semaphore, #tpu.memory_space<semaphore_mem>>) {add = true}
      %dma_wait3A_91 = arith.constant 0 : i32
      %dma_wait3A_92 = tpu.memref_slice %arg9[%run_scoped3A_39, %dma_wait3A_91] : memref<40x128xi32, #tpu.memory_space<vmem>> -> memref<1x128xi32, #tpu.memory_space<vmem>>
      %dma_wait3A_93 = tpu.memref_squeeze %dma_wait3A_92 : memref<1x128xi32, #tpu.memory_space<vmem>> -> memref<128xi32, #tpu.memory_space<vmem>>
      %dma_wait3A_94 = arith.constant 0 : i32
      %dma_wait3A_95 = arith.constant 0 : i32
      %dma_wait3A_96 = tpu.memref_slice %arg7[%dma_wait3A_94, %dma_wait3A_95] : memref<10112x128xf32, #tpu.memory_space<vmem_shared>> -> memref<10112x128xf32, #tpu.memory_space<vmem_shared>>
      tpu.wait_indirect_dma semaphore(%run_scoped3A_84 : memref<!tpu.dma_semaphore, #tpu.memory_space<semaphore_mem>>) src(%arg11 : memref<128x128xf32, #tpu.memory_space<vmem>>) dst(%dma_wait3A_96 : memref<10112x128xf32, #tpu.memory_space<vmem_shared>>)
      tpu.yield
    }) : () -> ()
    %mul3A_40 = arith.constant 80 : i32
    %mul3A_41 = arith.muli %add3A, %mul3A_40 : i32
    %add3A_42 = arith.constant 40 : i32
    %add3A_43 = arith.addi %mul3A_41, %add3A_42 : i32
    "tpu.region"() ({
      %run_scoped3A_84 = tpu.sem_alloc : memref<!tpu.dma_semaphore, #tpu.memory_space<semaphore_mem>>
      %dma_start3A_85 = arith.constant 0 : i32
      %dma_start3A_86 = tpu.memref_slice %arg3[%add3A_43, %dma_start3A_85] : memref<2560x128xi32, #tpu.memory_space<hbm>> -> memref<40x128xi32, #tpu.memory_space<hbm>>
      %dma_start3A_87 = arith.constant 0 : i32
      %dma_start3A_88 = tpu.memref_slice %arg3[%add3A_43, %dma_start3A_87] : memref<2560x128xi32, #tpu.memory_space<hbm>> -> memref<40x128xi32, #tpu.memory_space<hbm>>
      tpu.enqueue_dma source(%dma_start3A_88 : memref<40x128xi32, #tpu.memory_space<hbm>>) target(%arg8 : memref<40x128xi32, #tpu.memory_space<vmem>>) target_semaphore(%run_scoped3A_84 : memref<!tpu.dma_semaphore, #tpu.memory_space<semaphore_mem>>)
      %dma_wait3A_89 = arith.constant 0 : i32
      %dma_wait3A_90 = tpu.memref_slice %arg3[%add3A_43, %dma_wait3A_89] : memref<2560x128xi32, #tpu.memory_space<hbm>> -> memref<40x128xi32, #tpu.memory_space<hbm>>
      %dma_wait3A_91 = arith.constant 0 : i32
      %dma_wait3A_92 = tpu.memref_slice %arg3[%add3A_43, %dma_wait3A_91] : memref<2560x128xi32, #tpu.memory_space<hbm>> -> memref<40x128xi32, #tpu.memory_space<hbm>>
      tpu.wait_dma2 semaphore(%run_scoped3A_84 : memref<!tpu.dma_semaphore, #tpu.memory_space<semaphore_mem>>) src(%dma_wait3A_92 : memref<40x128xi32, #tpu.memory_space<hbm>>) dst(%arg8 : memref<40x128xi32, #tpu.memory_space<vmem>>)
      tpu.yield
    }) : () -> ()
    "tpu.region"() ({
      %run_scoped3A_84 = tpu.sem_alloc : memref<!tpu.dma_semaphore, #tpu.memory_space<semaphore_mem>>
      %dma_start3A_85 = arith.constant 0 : i32
      %dma_start3A_86 = tpu.memref_slice %arg4[%add3A_43, %dma_start3A_85] : memref<2560x128xi32, #tpu.memory_space<hbm>> -> memref<40x128xi32, #tpu.memory_space<hbm>>
      %dma_start3A_87 = arith.constant 0 : i32
      %dma_start3A_88 = tpu.memref_slice %arg4[%add3A_43, %dma_start3A_87] : memref<2560x128xi32, #tpu.memory_space<hbm>> -> memref<40x128xi32, #tpu.memory_space<hbm>>
      tpu.enqueue_dma source(%dma_start3A_88 : memref<40x128xi32, #tpu.memory_space<hbm>>) target(%arg9 : memref<40x128xi32, #tpu.memory_space<vmem>>) target_semaphore(%run_scoped3A_84 : memref<!tpu.dma_semaphore, #tpu.memory_space<semaphore_mem>>)
      %dma_wait3A_89 = arith.constant 0 : i32
      %dma_wait3A_90 = tpu.memref_slice %arg4[%add3A_43, %dma_wait3A_89] : memref<2560x128xi32, #tpu.memory_space<hbm>> -> memref<40x128xi32, #tpu.memory_space<hbm>>
      %dma_wait3A_91 = arith.constant 0 : i32
      %dma_wait3A_92 = tpu.memref_slice %arg4[%add3A_43, %dma_wait3A_91] : memref<2560x128xi32, #tpu.memory_space<hbm>> -> memref<40x128xi32, #tpu.memory_space<hbm>>
      tpu.wait_dma2 semaphore(%run_scoped3A_84 : memref<!tpu.dma_semaphore, #tpu.memory_space<semaphore_mem>>) src(%dma_wait3A_92 : memref<40x128xi32, #tpu.memory_space<hbm>>) dst(%arg9 : memref<40x128xi32, #tpu.memory_space<vmem>>)
      tpu.yield
    }) : () -> ()
    %dma_start3A_44 = arith.constant 0 : i32
    %dma_start3A_45 = arith.constant 0 : i32
    %dma_start3A_46 = tpu.memref_slice %arg8[%dma_start3A_44, %dma_start3A_45] : memref<40x128xi32, #tpu.memory_space<vmem>> -> memref<1x128xi32, #tpu.memory_space<vmem>>
    %dma_start3A_47 = tpu.memref_squeeze %dma_start3A_46 : memref<1x128xi32, #tpu.memory_space<vmem>> -> memref<128xi32, #tpu.memory_space<vmem>>
    %dma_start3A_48 = arith.constant 0 : i32
    %dma_start3A_49 = arith.constant 0 : i32
    %dma_start3A_50 = tpu.memref_slice %arg2[%dma_start3A_48, %dma_start3A_49] : memref<10000x128xf32, #tpu.memory_space<hbm>> -> memref<10000x128xf32, #tpu.memory_space<hbm>>
    tpu.enqueue_indirect_dma source(%dma_start3A_50 : memref<10000x128xf32, #tpu.memory_space<hbm>>) target(%arg10 : memref<128x128xf32, #tpu.memory_space<vmem>>) offsets(%dma_start3A_47 : memref<128xi32, #tpu.memory_space<vmem>>) semaphore(%arg12 : memref<!tpu.dma_semaphore, #tpu.memory_space<semaphore_mem>>)
    %dma_start3A_51 = arith.constant 1 : i32
    %dma_start3A_52 = arith.constant 0 : i32
    %dma_start3A_53 = tpu.memref_slice %arg8[%dma_start3A_51, %dma_start3A_52] : memref<40x128xi32, #tpu.memory_space<vmem>> -> memref<1x128xi32, #tpu.memory_space<vmem>>
    %dma_start3A_54 = tpu.memref_squeeze %dma_start3A_53 : memref<1x128xi32, #tpu.memory_space<vmem>> -> memref<128xi32, #tpu.memory_space<vmem>>
    %dma_start3A_55 = arith.constant 0 : i32
    %dma_start3A_56 = arith.constant 0 : i32
    %dma_start3A_57 = tpu.memref_slice %arg2[%dma_start3A_55, %dma_start3A_56] : memref<10000x128xf32, #tpu.memory_space<hbm>> -> memref<10000x128xf32, #tpu.memory_space<hbm>>
    tpu.enqueue_indirect_dma source(%dma_start3A_57 : memref<10000x128xf32, #tpu.memory_space<hbm>>) target(%arg11 : memref<128x128xf32, #tpu.memory_space<vmem>>) offsets(%dma_start3A_54 : memref<128xi32, #tpu.memory_space<vmem>>) semaphore(%arg13 : memref<!tpu.dma_semaphore, #tpu.memory_space<semaphore_mem>>)
    %scan3A_58 = arith.constant 0 : i32
    %scan3A_59 = arith.constant 19 : i32
    %scan3A_60 = arith.addi %scan3A_58, %scan3A_59 : i32
    %scan3A_61 = arith.constant 1 : i32
    scf.for %scan3A_84 = %scan3A_58 to %scan3A_60 step %scan3A_61  : i32 {
      %mul3A_85 = arith.constant 2 : i32
      %mul3A_86 = arith.muli %scan3A_84, %mul3A_85 : i32
      %add3A_87 = arith.constant 0 : i32
      %add3A_88 = arith.addi %add3A_87, %mul3A_86 : i32
      %dma_wait3A_89 = arith.constant 0 : i32
      %dma_wait3A_90 = tpu.memref_slice %arg8[%add3A_88, %dma_wait3A_89] : memref<40x128xi32, #tpu.memory_space<vmem>> -> memref<1x128xi32, #tpu.memory_space<vmem>>
      %dma_wait3A_91 = tpu.memref_squeeze %dma_wait3A_90 : memref<1x128xi32, #tpu.memory_space<vmem>> -> memref<128xi32, #tpu.memory_space<vmem>>
      %dma_wait3A_92 = arith.constant 0 : i32
      %dma_wait3A_93 = arith.constant 0 : i32
      %dma_wait3A_94 = tpu.memref_slice %arg2[%dma_wait3A_92, %dma_wait3A_93] : memref<10000x128xf32, #tpu.memory_space<hbm>> -> memref<10000x128xf32, #tpu.memory_space<hbm>>
      tpu.wait_indirect_dma semaphore(%arg12 : memref<!tpu.dma_semaphore, #tpu.memory_space<semaphore_mem>>) src(%dma_wait3A_94 : memref<10000x128xf32, #tpu.memory_space<hbm>>) dst(%arg10 : memref<128x128xf32, #tpu.memory_space<vmem>>)
      "tpu.region"() ({
        %run_scoped3A_119 = tpu.sem_alloc : memref<!tpu.dma_semaphore, #tpu.memory_space<semaphore_mem>>
        %dma_start3A_120 = arith.constant 0 : i32
        %dma_start3A_121 = tpu.memref_slice %arg9[%add3A_88, %dma_start3A_120] : memref<40x128xi32, #tpu.memory_space<vmem>> -> memref<1x128xi32, #tpu.memory_space<vmem>>
        %dma_start3A_122 = tpu.memref_squeeze %dma_start3A_121 : memref<1x128xi32, #tpu.memory_space<vmem>> -> memref<128xi32, #tpu.memory_space<vmem>>
        %dma_start3A_123 = arith.constant 0 : i32
        %dma_start3A_124 = arith.constant 0 : i32
        %dma_start3A_125 = tpu.memref_slice %arg7[%dma_start3A_123, %dma_start3A_124] : memref<10112x128xf32, #tpu.memory_space<vmem_shared>> -> memref<10112x128xf32, #tpu.memory_space<vmem_shared>>
        tpu.enqueue_indirect_dma source(%arg10 : memref<128x128xf32, #tpu.memory_space<vmem>>) target(%dma_start3A_125 : memref<10112x128xf32, #tpu.memory_space<vmem_shared>>) offsets(%dma_start3A_122 : memref<128xi32, #tpu.memory_space<vmem>>) semaphore(%run_scoped3A_119 : memref<!tpu.dma_semaphore, #tpu.memory_space<semaphore_mem>>) {add = true}
        %dma_wait3A_126 = arith.constant 0 : i32
        %dma_wait3A_127 = tpu.memref_slice %arg9[%add3A_88, %dma_wait3A_126] : memref<40x128xi32, #tpu.memory_space<vmem>> -> memref<1x128xi32, #tpu.memory_space<vmem>>
        %dma_wait3A_128 = tpu.memref_squeeze %dma_wait3A_127 : memref<1x128xi32, #tpu.memory_space<vmem>> -> memref<128xi32, #tpu.memory_space<vmem>>
        %dma_wait3A_129 = arith.constant 0 : i32
        %dma_wait3A_130 = arith.constant 0 : i32
        %dma_wait3A_131 = tpu.memref_slice %arg7[%dma_wait3A_129, %dma_wait3A_130] : memref<10112x128xf32, #tpu.memory_space<vmem_shared>> -> memref<10112x128xf32, #tpu.memory_space<vmem_shared>>
        tpu.wait_indirect_dma semaphore(%run_scoped3A_119 : memref<!tpu.dma_semaphore, #tpu.memory_space<semaphore_mem>>) src(%arg10 : memref<128x128xf32, #tpu.memory_space<vmem>>) dst(%dma_wait3A_131 : memref<10112x128xf32, #tpu.memory_space<vmem_shared>>)
        tpu.yield
      }) : () -> ()
      %add3A_95 = arith.constant 2 : i32
      %add3A_96 = arith.addi %add3A_88, %add3A_95 : i32
      %dma_start3A_97 = arith.constant 0 : i32
      %dma_start3A_98 = tpu.memref_slice %arg8[%add3A_96, %dma_start3A_97] : memref<40x128xi32, #tpu.memory_space<vmem>> -> memref<1x128xi32, #tpu.memory_space<vmem>>
      %dma_start3A_99 = tpu.memref_squeeze %dma_start3A_98 : memref<1x128xi32, #tpu.memory_space<vmem>> -> memref<128xi32, #tpu.memory_space<vmem>>
      %dma_start3A_100 = arith.constant 0 : i32
      %dma_start3A_101 = arith.constant 0 : i32
      %dma_start3A_102 = tpu.memref_slice %arg2[%dma_start3A_100, %dma_start3A_101] : memref<10000x128xf32, #tpu.memory_space<hbm>> -> memref<10000x128xf32, #tpu.memory_space<hbm>>
      tpu.enqueue_indirect_dma source(%dma_start3A_102 : memref<10000x128xf32, #tpu.memory_space<hbm>>) target(%arg10 : memref<128x128xf32, #tpu.memory_space<vmem>>) offsets(%dma_start3A_99 : memref<128xi32, #tpu.memory_space<vmem>>) semaphore(%arg12 : memref<!tpu.dma_semaphore, #tpu.memory_space<semaphore_mem>>)
      %dma_wait3A_103 = arith.constant 0 : i32
      %dma_wait3A_104 = tpu.memref_slice %arg8[%add3A_88, %dma_wait3A_103] : memref<40x128xi32, #tpu.memory_space<vmem>> -> memref<1x128xi32, #tpu.memory_space<vmem>>
      %dma_wait3A_105 = tpu.memref_squeeze %dma_wait3A_104 : memref<1x128xi32, #tpu.memory_space<vmem>> -> memref<128xi32, #tpu.memory_space<vmem>>
      %dma_wait3A_106 = arith.constant 0 : i32
      %dma_wait3A_107 = arith.constant 0 : i32
      %dma_wait3A_108 = tpu.memref_slice %arg2[%dma_wait3A_106, %dma_wait3A_107] : memref<10000x128xf32, #tpu.memory_space<hbm>> -> memref<10000x128xf32, #tpu.memory_space<hbm>>
      tpu.wait_indirect_dma semaphore(%arg13 : memref<!tpu.dma_semaphore, #tpu.memory_space<semaphore_mem>>) src(%dma_wait3A_108 : memref<10000x128xf32, #tpu.memory_space<hbm>>) dst(%arg11 : memref<128x128xf32, #tpu.memory_space<vmem>>)
      %add3A_109 = arith.constant 1 : i32
      %add3A_110 = arith.addi %add3A_88, %add3A_109 : i32
      "tpu.region"() ({
        %run_scoped3A_119 = tpu.sem_alloc : memref<!tpu.dma_semaphore, #tpu.memory_space<semaphore_mem>>
        %dma_start3A_120 = arith.constant 0 : i32
        %dma_start3A_121 = tpu.memref_slice %arg9[%add3A_110, %dma_start3A_120] : memref<40x128xi32, #tpu.memory_space<vmem>> -> memref<1x128xi32, #tpu.memory_space<vmem>>
        %dma_start3A_122 = tpu.memref_squeeze %dma_start3A_121 : memref<1x128xi32, #tpu.memory_space<vmem>> -> memref<128xi32, #tpu.memory_space<vmem>>
        %dma_start3A_123 = arith.constant 0 : i32
        %dma_start3A_124 = arith.constant 0 : i32
        %dma_start3A_125 = tpu.memref_slice %arg7[%dma_start3A_123, %dma_start3A_124] : memref<10112x128xf32, #tpu.memory_space<vmem_shared>> -> memref<10112x128xf32, #tpu.memory_space<vmem_shared>>
        tpu.enqueue_indirect_dma source(%arg11 : memref<128x128xf32, #tpu.memory_space<vmem>>) target(%dma_start3A_125 : memref<10112x128xf32, #tpu.memory_space<vmem_shared>>) offsets(%dma_start3A_122 : memref<128xi32, #tpu.memory_space<vmem>>) semaphore(%run_scoped3A_119 : memref<!tpu.dma_semaphore, #tpu.memory_space<semaphore_mem>>) {add = true}
        %dma_wait3A_126 = arith.constant 0 : i32
        %dma_wait3A_127 = tpu.memref_slice %arg9[%add3A_110, %dma_wait3A_126] : memref<40x128xi32, #tpu.memory_space<vmem>> -> memref<1x128xi32, #tpu.memory_space<vmem>>
        %dma_wait3A_128 = tpu.memref_squeeze %dma_wait3A_127 : memref<1x128xi32, #tpu.memory_space<vmem>> -> memref<128xi32, #tpu.memory_space<vmem>>
        %dma_wait3A_129 = arith.constant 0 : i32
        %dma_wait3A_130 = arith.constant 0 : i32
        %dma_wait3A_131 = tpu.memref_slice %arg7[%dma_wait3A_129, %dma_wait3A_130] : memref<10112x128xf32, #tpu.memory_space<vmem_shared>> -> memref<10112x128xf32, #tpu.memory_space<vmem_shared>>
        tpu.wait_indirect_dma semaphore(%run_scoped3A_119 : memref<!tpu.dma_semaphore, #tpu.memory_space<semaphore_mem>>) src(%arg11 : memref<128x128xf32, #tpu.memory_space<vmem>>) dst(%dma_wait3A_131 : memref<10112x128xf32, #tpu.memory_space<vmem_shared>>)
        tpu.yield
      }) : () -> ()
      %add3A_111 = arith.constant 3 : i32
      %add3A_112 = arith.addi %add3A_88, %add3A_111 : i32
      %dma_start3A_113 = arith.constant 0 : i32
      %dma_start3A_114 = tpu.memref_slice %arg8[%add3A_112, %dma_start3A_113] : memref<40x128xi32, #tpu.memory_space<vmem>> -> memref<1x128xi32, #tpu.memory_space<vmem>>
      %dma_start3A_115 = tpu.memref_squeeze %dma_start3A_114 : memref<1x128xi32, #tpu.memory_space<vmem>> -> memref<128xi32, #tpu.memory_space<vmem>>
      %dma_start3A_116 = arith.constant 0 : i32
      %dma_start3A_117 = arith.constant 0 : i32
      %dma_start3A_118 = tpu.memref_slice %arg2[%dma_start3A_116, %dma_start3A_117] : memref<10000x128xf32, #tpu.memory_space<hbm>> -> memref<10000x128xf32, #tpu.memory_space<hbm>>
      tpu.enqueue_indirect_dma source(%dma_start3A_118 : memref<10000x128xf32, #tpu.memory_space<hbm>>) target(%arg11 : memref<128x128xf32, #tpu.memory_space<vmem>>) offsets(%dma_start3A_115 : memref<128xi32, #tpu.memory_space<vmem>>) semaphore(%arg13 : memref<!tpu.dma_semaphore, #tpu.memory_space<semaphore_mem>>)
    }
    %scan3A_62 = arith.constant 19 : i32
    %dma_wait3A_63 = arith.constant 0 : i32
    %dma_wait3A_64 = arith.constant 0 : i32
    %dma_wait3A_65 = tpu.memref_slice %arg8[%dma_wait3A_63, %dma_wait3A_64] : memref<40x128xi32, #tpu.memory_space<vmem>> -> memref<1x128xi32, #tpu.memory_space<vmem>>
    %dma_wait3A_66 = tpu.memref_squeeze %dma_wait3A_65 : memref<1x128xi32, #tpu.memory_space<vmem>> -> memref<128xi32, #tpu.memory_space<vmem>>
    %dma_wait3A_67 = arith.constant 0 : i32
    %dma_wait3A_68 = arith.constant 0 : i32
    %dma_wait3A_69 = tpu.memref_slice %arg2[%dma_wait3A_67, %dma_wait3A_68] : memref<10000x128xf32, #tpu.memory_space<hbm>> -> memref<10000x128xf32, #tpu.memory_space<hbm>>
    tpu.wait_indirect_dma semaphore(%arg12 : memref<!tpu.dma_semaphore, #tpu.memory_space<semaphore_mem>>) src(%dma_wait3A_69 : memref<10000x128xf32, #tpu.memory_space<hbm>>) dst(%arg10 : memref<128x128xf32, #tpu.memory_space<vmem>>)
    %run_scoped3A_70 = arith.constant 38 : i32
    "tpu.region"() ({
      %run_scoped3A_84 = tpu.sem_alloc : memref<!tpu.dma_semaphore, #tpu.memory_space<semaphore_mem>>
      %dma_start3A_85 = arith.constant 0 : i32
      %dma_start3A_86 = tpu.memref_slice %arg9[%run_scoped3A_70, %dma_start3A_85] : memref<40x128xi32, #tpu.memory_space<vmem>> -> memref<1x128xi32, #tpu.memory_space<vmem>>
      %dma_start3A_87 = tpu.memref_squeeze %dma_start3A_86 : memref<1x128xi32, #tpu.memory_space<vmem>> -> memref<128xi32, #tpu.memory_space<vmem>>
      %dma_start3A_88 = arith.constant 0 : i32
      %dma_start3A_89 = arith.constant 0 : i32
      %dma_start3A_90 = tpu.memref_slice %arg7[%dma_start3A_88, %dma_start3A_89] : memref<10112x128xf32, #tpu.memory_space<vmem_shared>> -> memref<10112x128xf32, #tpu.memory_space<vmem_shared>>
      tpu.enqueue_indirect_dma source(%arg10 : memref<128x128xf32, #tpu.memory_space<vmem>>) target(%dma_start3A_90 : memref<10112x128xf32, #tpu.memory_space<vmem_shared>>) offsets(%dma_start3A_87 : memref<128xi32, #tpu.memory_space<vmem>>) semaphore(%run_scoped3A_84 : memref<!tpu.dma_semaphore, #tpu.memory_space<semaphore_mem>>) {add = true}
      %dma_wait3A_91 = arith.constant 0 : i32
      %dma_wait3A_92 = tpu.memref_slice %arg9[%run_scoped3A_70, %dma_wait3A_91] : memref<40x128xi32, #tpu.memory_space<vmem>> -> memref<1x128xi32, #tpu.memory_space<vmem>>
      %dma_wait3A_93 = tpu.memref_squeeze %dma_wait3A_92 : memref<1x128xi32, #tpu.memory_space<vmem>> -> memref<128xi32, #tpu.memory_space<vmem>>
      %dma_wait3A_94 = arith.constant 0 : i32
      %dma_wait3A_95 = arith.constant 0 : i32
      %dma_wait3A_96 = tpu.memref_slice %arg7[%dma_wait3A_94, %dma_wait3A_95] : memref<10112x128xf32, #tpu.memory_space<vmem_shared>> -> memref<10112x128xf32, #tpu.memory_space<vmem_shared>>
      tpu.wait_indirect_dma semaphore(%run_scoped3A_84 : memref<!tpu.dma_semaphore, #tpu.memory_space<semaphore_mem>>) src(%arg10 : memref<128x128xf32, #tpu.memory_space<vmem>>) dst(%dma_wait3A_96 : memref<10112x128xf32, #tpu.memory_space<vmem_shared>>)
      tpu.yield
    }) : () -> ()
    %dma_wait3A_71 = arith.constant 0 : i32
    %dma_wait3A_72 = arith.constant 0 : i32
    %dma_wait3A_73 = tpu.memref_slice %arg8[%dma_wait3A_71, %dma_wait3A_72] : memref<40x128xi32, #tpu.memory_space<vmem>> -> memref<1x128xi32, #tpu.memory_space<vmem>>
    %dma_wait3A_74 = tpu.memref_squeeze %dma_wait3A_73 : memref<1x128xi32, #tpu.memory_space<vmem>> -> memref<128xi32, #tpu.memory_space<vmem>>
    %dma_wait3A_75 = arith.constant 0 : i32
    %dma_wait3A_76 = arith.constant 0 : i32
    %dma_wait3A_77 = tpu.memref_slice %arg2[%dma_wait3A_75, %dma_wait3A_76] : memref<10000x128xf32, #tpu.memory_space<hbm>> -> memref<10000x128xf32, #tpu.memory_space<hbm>>
    tpu.wait_indirect_dma semaphore(%arg13 : memref<!tpu.dma_semaphore, #tpu.memory_space<semaphore_mem>>) src(%dma_wait3A_77 : memref<10000x128xf32, #tpu.memory_space<hbm>>) dst(%arg11 : memref<128x128xf32, #tpu.memory_space<vmem>>)
    %run_scoped3A_78 = arith.constant 39 : i32
    "tpu.region"() ({
      %run_scoped3A_84 = tpu.sem_alloc : memref<!tpu.dma_semaphore, #tpu.memory_space<semaphore_mem>>
      %dma_start3A_85 = arith.constant 0 : i32
      %dma_start3A_86 = tpu.memref_slice %arg9[%run_scoped3A_78, %dma_start3A_85] : memref<40x128xi32, #tpu.memory_space<vmem>> -> memref<1x128xi32, #tpu.memory_space<vmem>>
      %dma_start3A_87 = tpu.memref_squeeze %dma_start3A_86 : memref<1x128xi32, #tpu.memory_space<vmem>> -> memref<128xi32, #tpu.memory_space<vmem>>
      %dma_start3A_88 = arith.constant 0 : i32
      %dma_start3A_89 = arith.constant 0 : i32
      %dma_start3A_90 = tpu.memref_slice %arg7[%dma_start3A_88, %dma_start3A_89] : memref<10112x128xf32, #tpu.memory_space<vmem_shared>> -> memref<10112x128xf32, #tpu.memory_space<vmem_shared>>
      tpu.enqueue_indirect_dma source(%arg11 : memref<128x128xf32, #tpu.memory_space<vmem>>) target(%dma_start3A_90 : memref<10112x128xf32, #tpu.memory_space<vmem_shared>>) offsets(%dma_start3A_87 : memref<128xi32, #tpu.memory_space<vmem>>) semaphore(%run_scoped3A_84 : memref<!tpu.dma_semaphore, #tpu.memory_space<semaphore_mem>>) {add = true}
      %dma_wait3A_91 = arith.constant 0 : i32
      %dma_wait3A_92 = tpu.memref_slice %arg9[%run_scoped3A_78, %dma_wait3A_91] : memref<40x128xi32, #tpu.memory_space<vmem>> -> memref<1x128xi32, #tpu.memory_space<vmem>>
      %dma_wait3A_93 = tpu.memref_squeeze %dma_wait3A_92 : memref<1x128xi32, #tpu.memory_space<vmem>> -> memref<128xi32, #tpu.memory_space<vmem>>
      %dma_wait3A_94 = arith.constant 0 : i32
      %dma_wait3A_95 = arith.constant 0 : i32
      %dma_wait3A_96 = tpu.memref_slice %arg7[%dma_wait3A_94, %dma_wait3A_95] : memref<10112x128xf32, #tpu.memory_space<vmem_shared>> -> memref<10112x128xf32, #tpu.memory_space<vmem_shared>>
      tpu.wait_indirect_dma semaphore(%run_scoped3A_84 : memref<!tpu.dma_semaphore, #tpu.memory_space<semaphore_mem>>) src(%arg11 : memref<128x128xf32, #tpu.memory_space<vmem>>) dst(%dma_wait3A_96 : memref<10112x128xf32, #tpu.memory_space<vmem_shared>>)
      tpu.yield
    }) : () -> ()
    %barrier3A_79 = arith.constant 0 : index
    tpu.barrier barrier_id(%barrier3A_79)
    %mul3A_80 = arith.constant 632 : i32
    %mul3A_81 = arith.muli %arg1, %mul3A_80 : i32
    %mul3A_82 = arith.constant 632 : i32
    %mul3A_83 = arith.muli %arg1, %mul3A_82 : i32
    "tpu.region"() ({
      %run_scoped3A_84 = tpu.sem_alloc : memref<!tpu.dma_semaphore, #tpu.memory_space<semaphore_mem>>
      %dma_start3A_85 = arith.constant 0 : i32
      %dma_start3A_86 = tpu.memref_slice %arg6[%arg0, %mul3A_83, %dma_start3A_85] : memref<2x10112x128xf32, #tpu.memory_space<hbm>> -> memref<1x632x128xf32, #tpu.memory_space<hbm>>
      %dma_start3A_87 = tpu.memref_squeeze %dma_start3A_86 : memref<1x632x128xf32, #tpu.memory_space<hbm>> -> memref<632x128xf32, #tpu.memory_space<hbm>>
      %dma_start3A_88 = arith.constant 0 : i32
      %dma_start3A_89 = tpu.memref_slice %arg7[%mul3A_81, %dma_start3A_88] : memref<10112x128xf32, #tpu.memory_space<vmem_shared>> -> memref<632x128xf32, #tpu.memory_space<vmem_shared>>
      tpu.enqueue_dma source(%dma_start3A_89 : memref<632x128xf32, #tpu.memory_space<vmem_shared>>) target(%dma_start3A_87 : memref<632x128xf32, #tpu.memory_space<hbm>>) target_semaphore(%run_scoped3A_84 : memref<!tpu.dma_semaphore, #tpu.memory_space<semaphore_mem>>)
      %dma_wait3A_90 = arith.constant 0 : i32
      %dma_wait3A_91 = tpu.memref_slice %arg6[%arg0, %mul3A_83, %dma_wait3A_90] : memref<2x10112x128xf32, #tpu.memory_space<hbm>> -> memref<1x632x128xf32, #tpu.memory_space<hbm>>
      %dma_wait3A_92 = tpu.memref_squeeze %dma_wait3A_91 : memref<1x632x128xf32, #tpu.memory_space<hbm>> -> memref<632x128xf32, #tpu.memory_space<hbm>>
      %dma_wait3A_93 = arith.constant 0 : i32
      %dma_wait3A_94 = tpu.memref_slice %arg7[%mul3A_81, %dma_wait3A_93] : memref<10112x128xf32, #tpu.memory_space<vmem_shared>> -> memref<632x128xf32, #tpu.memory_space<vmem_shared>>
      tpu.wait_dma2 semaphore(%run_scoped3A_84 : memref<!tpu.dma_semaphore, #tpu.memory_space<semaphore_mem>>) src(%dma_wait3A_94 : memref<632x128xf32, #tpu.memory_space<vmem_shared>>) dst(%dma_wait3A_92 : memref<632x128xf32, #tpu.memory_space<hbm>>)
      tpu.yield
    }) : () -> ()
    return
  }
}

module attributes {stable_mosaic.version = 14 : i64} {
  func.func @_tc_prep_body(%arg0: memref<2x10112x128xf32, #tpu.memory_space<vmem>>, %arg1: memref<10000x128xf32, #tpu.memory_space<vmem>>, %arg2: memref<10000x1xf32, #tpu.memory_space<vmem>>, %arg3: memref<10000x128xf32, #tpu.memory_space<vmem>>) attributes {dimension_semantics = [], scalar_prefetch = 0 : i64, scratch_operands = 0 : i64, tpu.core_type = #tpu.core_type<tc>} {
    %get3A = arith.constant 0 : index
    %get3A_0 = arith.constant 0 : index
    %get3A_1 = arith.constant 0 : index
    %get3A_2 = vector.load %arg0[%get3A, %get3A_0, %get3A_1] : memref<2x10112x128xf32, #tpu.memory_space<vmem>>, vector<1x10000x1xf32>
    %get3A_3 = vector.shape_cast %get3A_2 : vector<1x10000x1xf32> to vector<10000x1xf32>
    %get3A_4 = arith.constant 1 : index
    %get3A_5 = arith.constant 0 : index
    %get3A_6 = arith.constant 0 : index
    %get3A_7 = vector.load %arg0[%get3A_4, %get3A_5, %get3A_6] : memref<2x10112x128xf32, #tpu.memory_space<vmem>>, vector<1x10000x1xf32>
    %get3A_8 = vector.shape_cast %get3A_7 : vector<1x10000x1xf32> to vector<10000x1xf32>
    %add3A = arith.addf %get3A_3, %get3A_8 : vector<10000x1xf32>
    %gt3A = arith.constant 0.000000e+00 : f32
    %gt3A_9 = vector.broadcast %gt3A : f32 to vector<10000x1xf32>
    %gt3A_10 = arith.cmpf ogt, %add3A, %gt3A_9 : vector<10000x1xf32>
    %jit3A = arith.constant 1.000000e+00 : f32
    %broadcast_in_dim3A = vector.broadcast %jit3A : f32 to vector<10000x1xf32>
    %select_n3A = arith.select %gt3A_10, %add3A, %broadcast_in_dim3A : vector<10000x1xi1>, vector<10000x1xf32>
    %rsqrt3A = math.rsqrt %select_n3A : vector<10000x1xf32>
    %jit3A_11 = arith.constant 0.000000e+00 : f32
    %broadcast_in_dim3A_12 = vector.broadcast %jit3A_11 : f32 to vector<10000x1xf32>
    %select_n3A_13 = arith.select %gt3A_10, %rsqrt3A, %broadcast_in_dim3A_12 : vector<10000x1xi1>, vector<10000x1xf32>
    %swap3A = arith.constant 0 : index
    %swap3A_14 = arith.constant 0 : index
    %swap3A_15 = vector.load %arg2[%swap3A, %swap3A_14] : memref<10000x1xf32, #tpu.memory_space<vmem>>, vector<10000x1xf32>
    tpu.vector_store %arg2[%swap3A, %swap3A_14], %select_n3A_13 {strides = array<i32>} : memref<10000x1xf32, #tpu.memory_space<vmem>>, vector<10000x1xf32>,
    %get3A_16 = arith.constant 0 : index
    %get3A_17 = arith.constant 0 : index
    %get3A_18 = vector.load %arg1[%get3A_16, %get3A_17] : memref<10000x128xf32, #tpu.memory_space<vmem>>, vector<10000x128xf32>
    %mul3A = vector.broadcast %select_n3A_13 : vector<10000x1xf32> to vector<10000x128xf32>
    %mul3A_19 = arith.mulf %mul3A, %get3A_18 : vector<10000x128xf32>
    %swap3A_20 = arith.constant 0 : index
    %swap3A_21 = arith.constant 0 : index
    %swap3A_22 = vector.load %arg3[%swap3A_20, %swap3A_21] : memref<10000x128xf32, #tpu.memory_space<vmem>>, vector<10000x128xf32>
    tpu.vector_store %arg3[%swap3A_20, %swap3A_21], %mul3A_19 {strides = array<i32>} : memref<10000x128xf32, #tpu.memory_space<vmem>>, vector<10000x128xf32>,
    return
  }
}

module attributes {stable_mosaic.version = 14 : i64} {
  func.func @_tc_acc0_body(%arg0: memref<10000x128xf32, #tpu.memory_space<vmem>>, %arg1: memref<3x128x128xf32, #tpu.memory_space<vmem>>, %arg2: memref<10000x128xf32, #tpu.memory_space<vmem>>) attributes {dimension_semantics = [], scalar_prefetch = 0 : i64, scratch_operands = 0 : i64, tpu.core_type = #tpu.core_type<tc>} {
    %get3A = arith.constant 0 : index
    %get3A_0 = arith.constant 0 : index
    %get3A_1 = vector.load %arg0[%get3A, %get3A_0] : memref<10000x128xf32, #tpu.memory_space<vmem>>, vector<10000x128xf32>
    %get3A_2 = arith.constant 0 : index
    %get3A_3 = arith.constant 0 : index
    %get3A_4 = arith.constant 0 : index
    %get3A_5 = vector.load %arg1[%get3A_2, %get3A_3, %get3A_4] : memref<3x128x128xf32, #tpu.memory_space<vmem>>, vector<1x128x128xf32>
    %get3A_6 = vector.shape_cast %get3A_5 : vector<1x128x128xf32> to vector<128x128xf32>
    %get3A_7 = arith.constant 2 : index
    %get3A_8 = arith.constant 0 : index
    %get3A_9 = arith.constant 0 : index
    %get3A_10 = vector.load %arg1[%get3A_7, %get3A_8, %get3A_9] : memref<3x128x128xf32, #tpu.memory_space<vmem>>, vector<1x128x128xf32>
    %get3A_11 = vector.shape_cast %get3A_10 : vector<1x128x128xf32> to vector<128x128xf32>
    %sub3A = arith.subf %get3A_6, %get3A_11 : vector<128x128xf32>
    %dot_general3A = arith.constant dense<0.000000e+00> : vector<10000x128xf32>
    %dot_general3A_12 = tpu.matmul %get3A_1, %sub3A, %dot_general3A {dimension_numbers = #tpu.dot_dimension_numbers<[1], [0], [0], [1], [0, 0, 1, 1], [], []>, transpose_lhs_hint = false} : vector<10000x128xf32>, vector<128x128xf32>, vector<10000x128xf32> -> vector<10000x128xf32>
    %swap3A = arith.constant 0 : index
    %swap3A_13 = arith.constant 0 : index
    %swap3A_14 = vector.load %arg2[%swap3A, %swap3A_13] : memref<10000x128xf32, #tpu.memory_space<vmem>>, vector<10000x128xf32>
    tpu.vector_store %arg2[%swap3A, %swap3A_13], %dot_general3A_12 {strides = array<i32>} : memref<10000x128xf32, #tpu.memory_space<vmem>>, vector<10000x128xf32>,
    return
  }
}

module attributes {stable_mosaic.version = 14 : i64} {
  func.func @_tc_mid_body(%arg0: memref<2x10112x128xf32, #tpu.memory_space<vmem>>, %arg1: memref<10000x1xf32, #tpu.memory_space<vmem>>, %arg2: memref<10000x128xf32, #tpu.memory_space<vmem>>, %arg3: memref<3x128x128xf32, #tpu.memory_space<vmem>>, %arg4: memref<10000x128xf32, #tpu.memory_space<vmem>>, %arg5: memref<10000x128xf32, #tpu.memory_space<vmem>>) attributes {dimension_semantics = [], scalar_prefetch = 0 : i64, scratch_operands = 0 : i64, tpu.core_type = #tpu.core_type<tc>} {
    %get3A = arith.constant 0 : index
    %get3A_0 = arith.constant 0 : index
    %get3A_1 = arith.constant 0 : index
    %get3A_2 = vector.load %arg0[%get3A, %get3A_0, %get3A_1] : memref<2x10112x128xf32, #tpu.memory_space<vmem>>, vector<1x10000x128xf32>
    %get3A_3 = vector.shape_cast %get3A_2 : vector<1x10000x128xf32> to vector<10000x128xf32>
    %get3A_4 = arith.constant 1 : index
    %get3A_5 = arith.constant 0 : index
    %get3A_6 = arith.constant 0 : index
    %get3A_7 = vector.load %arg0[%get3A_4, %get3A_5, %get3A_6] : memref<2x10112x128xf32, #tpu.memory_space<vmem>>, vector<1x10000x128xf32>
    %get3A_8 = vector.shape_cast %get3A_7 : vector<1x10000x128xf32> to vector<10000x128xf32>
    %add3A = arith.addf %get3A_3, %get3A_8 : vector<10000x128xf32>
    %get3A_9 = arith.constant 0 : index
    %get3A_10 = arith.constant 0 : index
    %get3A_11 = vector.load %arg1[%get3A_9, %get3A_10] : memref<10000x1xf32, #tpu.memory_space<vmem>>, vector<10000x1xf32>
    %neg3A = arith.constant 0.000000e+00 : f32
    %neg3A_12 = vector.broadcast %neg3A : f32 to vector<10000x1xf32>
    %neg3A_13 = arith.subf %neg3A_12, %get3A_11 : vector<10000x1xf32>
    %mul3A = vector.broadcast %neg3A_13 : vector<10000x1xf32> to vector<10000x128xf32>
    %mul3A_14 = arith.mulf %mul3A, %add3A : vector<10000x128xf32>
    %get3A_15 = arith.constant 0 : index
    %get3A_16 = arith.constant 0 : index
    %get3A_17 = vector.load %arg2[%get3A_15, %get3A_16] : memref<10000x128xf32, #tpu.memory_space<vmem>>, vector<10000x128xf32>
    %get3A_18 = arith.constant 1 : index
    %get3A_19 = arith.constant 0 : index
    %get3A_20 = arith.constant 0 : index
    %get3A_21 = vector.load %arg3[%get3A_18, %get3A_19, %get3A_20] : memref<3x128x128xf32, #tpu.memory_space<vmem>>, vector<1x128x128xf32>
    %get3A_22 = vector.shape_cast %get3A_21 : vector<1x128x128xf32> to vector<128x128xf32>
    %dot_general3A = arith.constant dense<0.000000e+00> : vector<10000x128xf32>
    %dot_general3A_23 = tpu.matmul %mul3A_14, %get3A_22, %dot_general3A {dimension_numbers = #tpu.dot_dimension_numbers<[1], [0], [0], [1], [0, 0, 1, 1], [], []>, transpose_lhs_hint = false} : vector<10000x128xf32>, vector<128x128xf32>, vector<10000x128xf32> -> vector<10000x128xf32>
    %add3A_24 = arith.addf %get3A_17, %dot_general3A_23 : vector<10000x128xf32>
    %swap3A = arith.constant 0 : index
    %swap3A_25 = arith.constant 0 : index
    %swap3A_26 = vector.load %arg4[%swap3A, %swap3A_25] : memref<10000x128xf32, #tpu.memory_space<vmem>>, vector<10000x128xf32>
    tpu.vector_store %arg4[%swap3A, %swap3A_25], %add3A_24 {strides = array<i32>} : memref<10000x128xf32, #tpu.memory_space<vmem>>, vector<10000x128xf32>,
    %mul3A_27 = vector.broadcast %get3A_11 : vector<10000x1xf32> to vector<10000x128xf32>
    %mul3A_28 = arith.mulf %mul3A_27, %mul3A_14 : vector<10000x128xf32>
    %swap3A_29 = arith.constant 0 : index
    %swap3A_30 = arith.constant 0 : index
    %swap3A_31 = vector.load %arg5[%swap3A_29, %swap3A_30] : memref<10000x128xf32, #tpu.memory_space<vmem>>, vector<10000x128xf32>
    tpu.vector_store %arg5[%swap3A_29, %swap3A_30], %mul3A_28 {strides = array<i32>} : memref<10000x128xf32, #tpu.memory_space<vmem>>, vector<10000x128xf32>,
    return
  }
}

module attributes {stable_mosaic.version = 14 : i64} {
  func.func @_tc_final_body(%arg0: memref<2x10112x128xf32, #tpu.memory_space<vmem>>, %arg1: memref<10000x1xf32, #tpu.memory_space<vmem>>, %arg2: memref<10000x128xf32, #tpu.memory_space<vmem>>, %arg3: memref<3x128x128xf32, #tpu.memory_space<vmem>>, %arg4: memref<1x128xf32, #tpu.memory_space<vmem>>, %arg5: memref<128x1xf32, #tpu.memory_space<vmem>>, %arg6: memref<1x1xf32, #tpu.memory_space<vmem>>, %arg7: memref<10000x1xf32, #tpu.memory_space<vmem>>) attributes {dimension_semantics = [], scalar_prefetch = 0 : i64, scratch_operands = 0 : i64, tpu.core_type = #tpu.core_type<tc>} {
    %get3A = arith.constant 0 : index
    %get3A_0 = arith.constant 0 : index
    %get3A_1 = arith.constant 0 : index
    %get3A_2 = vector.load %arg0[%get3A, %get3A_0, %get3A_1] : memref<2x10112x128xf32, #tpu.memory_space<vmem>>, vector<1x10000x128xf32>
    %get3A_3 = vector.shape_cast %get3A_2 : vector<1x10000x128xf32> to vector<10000x128xf32>
    %get3A_4 = arith.constant 1 : index
    %get3A_5 = arith.constant 0 : index
    %get3A_6 = arith.constant 0 : index
    %get3A_7 = vector.load %arg0[%get3A_4, %get3A_5, %get3A_6] : memref<2x10112x128xf32, #tpu.memory_space<vmem>>, vector<1x10000x128xf32>
    %get3A_8 = vector.shape_cast %get3A_7 : vector<1x10000x128xf32> to vector<10000x128xf32>
    %add3A = arith.addf %get3A_3, %get3A_8 : vector<10000x128xf32>
    %get3A_9 = arith.constant 0 : index
    %get3A_10 = arith.constant 0 : index
    %get3A_11 = vector.load %arg1[%get3A_9, %get3A_10] : memref<10000x1xf32, #tpu.memory_space<vmem>>, vector<10000x1xf32>
    %neg3A = arith.constant 0.000000e+00 : f32
    %neg3A_12 = vector.broadcast %neg3A : f32 to vector<10000x1xf32>
    %neg3A_13 = arith.subf %neg3A_12, %get3A_11 : vector<10000x1xf32>
    %get3A_14 = arith.constant 2 : index
    %get3A_15 = arith.constant 0 : index
    %get3A_16 = arith.constant 0 : index
    %get3A_17 = vector.load %arg3[%get3A_14, %get3A_15, %get3A_16] : memref<3x128x128xf32, #tpu.memory_space<vmem>>, vector<1x128x128xf32>
    %get3A_18 = vector.shape_cast %get3A_17 : vector<1x128x128xf32> to vector<128x128xf32>
    %mul3A = arith.constant 2.000000e+00 : f32
    %mul3A_19 = vector.broadcast %mul3A : f32 to vector<128x128xf32>
    %mul3A_20 = arith.mulf %mul3A_19, %get3A_18 : vector<128x128xf32>
    %dot_general3A = arith.constant dense<0.000000e+00> : vector<10000x128xf32>
    %dot_general3A_21 = tpu.matmul %add3A, %mul3A_20, %dot_general3A {dimension_numbers = #tpu.dot_dimension_numbers<[1], [0], [0], [1], [0, 0, 1, 1], [], []>, transpose_lhs_hint = false} : vector<10000x128xf32>, vector<128x128xf32>, vector<10000x128xf32> -> vector<10000x128xf32>
    %mul3A_22 = vector.broadcast %neg3A_13 : vector<10000x1xf32> to vector<10000x128xf32>
    %mul3A_23 = arith.mulf %mul3A_22, %dot_general3A_21 : vector<10000x128xf32>
    %get3A_24 = arith.constant 0 : index
    %get3A_25 = arith.constant 0 : index
    %get3A_26 = vector.load %arg2[%get3A_24, %get3A_25] : memref<10000x128xf32, #tpu.memory_space<vmem>>, vector<10000x128xf32>
    %add3A_27 = arith.addf %get3A_26, %mul3A_23 : vector<10000x128xf32>
    %get3A_28 = arith.constant 0 : index
    %get3A_29 = arith.constant 0 : index
    %get3A_30 = vector.load %arg4[%get3A_28, %get3A_29] : memref<1x128xf32, #tpu.memory_space<vmem>>, vector<1x128xf32>
    %add3A_31 = vector.broadcast %get3A_30 : vector<1x128xf32> to vector<10000x128xf32>
    %add3A_32 = arith.addf %add3A_27, %add3A_31 : vector<10000x128xf32>
    %tanh3A = math.tanh %add3A_32 : vector<10000x128xf32>
    %get3A_33 = arith.constant 0 : index
    %get3A_34 = arith.constant 0 : index
    %get3A_35 = vector.load %arg5[%get3A_33, %get3A_34] : memref<128x1xf32, #tpu.memory_space<vmem>>, vector<128x1xf32>
    %dot_general3A_36 = arith.constant dense<0.000000e+00> : vector<10000x1xf32>
    %dot_general3A_37 = tpu.matmul %tanh3A, %get3A_35, %dot_general3A_36 {dimension_numbers = #tpu.dot_dimension_numbers<[1], [0], [0], [1], [0, 0, 1, 1], [], []>, transpose_lhs_hint = false} : vector<10000x128xf32>, vector<128x1xf32>, vector<10000x1xf32> -> vector<10000x1xf32>
    %get3A_38 = arith.constant 0 : index
    %get3A_39 = arith.constant 0 : index
    %get3A_40 = vector.load %arg6[%get3A_38, %get3A_39] : memref<1x1xf32, #tpu.memory_space<vmem>>, vector<1x1xf32>
    %add3A_41 = vector.broadcast %get3A_40 : vector<1x1xf32> to vector<10000x1xf32>
    %add3A_42 = arith.addf %dot_general3A_37, %add3A_41 : vector<10000x1xf32>
    %swap3A = arith.constant 0 : index
    %swap3A_43 = arith.constant 0 : index
    %swap3A_44 = vector.load %arg7[%swap3A, %swap3A_43] : memref<10000x1xf32, #tpu.memory_space<vmem>>, vector<10000x1xf32>
    tpu.vector_store %arg7[%swap3A, %swap3A_43], %add3A_42 {strides = array<i32>} : memref<10000x1xf32, #tpu.memory_space<vmem>>, vector<10000x1xf32>,
    return
  }
}

</mosaic_0001>

<sc_bundles>
// kernel: kernel.12.cloned.1.call-start
scs
__scs_entry_jumppad:
0x0: {  	(pc) =	sbr.rel $0x88, $3  }
0x1: {  	(tag) =	ssettag $0x0;
	lr =	simm.s32 $0x1  }
0x2: {  	[smem:$0x3F9B] =	sst lr;
	_ =	strace $0xD0000000  }
0x3: {  	_ = 	snop  }
0x4: {  	_ = 	snop  }
0x5: {  	_ = 	snop  }
0x6: {  	_ = 	snop  }
0x7: {  	_ = 	snop  }
__scs_overlays_trampoline_lowered:
0x8: {  	[smem:$0x3FAA] =	sst s0  }
0x9: {  	[smem:$0x3FAB] =	sst s1  }
0xa: {  	[smem:$0x3FAC] =	sst s2  }
0xb: {  	[smem:$0x3FAD] =	sst s3  }
0xc: {  	[smem:$0x3FAE] =	sst s4  }
0xd: {  	[smem:$0x3FAF] =	sst s5  }
0xe: {  	[smem:$0x3FB0] =	sst s6  }
0xf: {  	[smem:$0x3FB1] =	sst s7  }
0x10: {  	[smem:$0x3FB2] =	sst s8  }
0x11: {  	[smem:$0x3FB3] =	sst s9;
	s0 =	simm.s32 @!p0 $0x0  }
0x12: {  	s1 =	sld [smem:$0x3F99];
	s0 =	simm.s32 @p0 $0x1  }
0x13: {  	[smem:$0x3FB4] =	sst s0;
	s0 =	simm.s32 @!p1 $0x0  }
0x14: {  	s2 =	sld [smem:$0x3F98];
	s0 =	simm.s32 @p1 $0x1  }
0x15: {  	[smem:$0x3FB5] =	sst s0;
	s0 =	simm.s32 @!p2 $0x0  }
0x16: {  	s3 =	sld [smem:$0x3FDB];
	s0 =	simm.s32 @p2 $0x1  }
0x17: {  	s4 =	simm.s32 $0x1BF5;
	[smem:$0x3FB7] =	sst s0  }
0x18: {  	s0 =	sld [smem:$0x3F9A];
	_ =	swait.ge [sflag:s4], $0x0  }
0x19: {  	s7 =	sld [smem:$0x3F9B]  }
0x1a: {  	s8 =	sadd.s32 $0xFFFFE003, lr  }
0x1b: {  	s9 =	sadd.s32 $0xFFFFFEF7, lr;
	s5 =	simm.s32 $0xFFFFFFFF;
	p2 =	slt.u32 s8, $0xFFFFF086  }
0x1c: {  	p1 =	slt.u32 s9, $0xF7A;
	s5 =	simm.s32 @!p2 $0x0  }
0x1d: {  	s5 =	simm.s32 @p1 $0x1;
	p0 =	seq.s32 s7, s2  }
0x1e: {  	s7 =	smul.u32 @!p0 $0xF7A, s2;
	p2 =	seq.s32 @!p0 s5, $0x0  }
0x1f: {  	s9 =	smul.u32 $0xF7A, s1;
	s8 =	simm.s32 @!p0 $0x1BF5;
	p2 =	por !p2, p0  }
0x20: {  	[sflag:s8] =	ssyncset.s32 @!p0 $0xFFFFF086;
	s6 =	sadd.s32 @!p0 s3, s7;
	s7 =	simm.s32 @!p0 $0x108  }
0x21: {  	s3 =	sadd.s32 s3, s9;
	s6 =	sadd.s32 @!p0 $0x88, s6;
	s7 =	simm.s32 @p2 $0x1082  }
0x22: {  	[simem:s7], [sflag:s8] =	dma.local @!p0 [hbm:s6], $0xF7A  }
0x23: {  	s9 =	sor.u32 $0xD0000000, s2;
	s6 =	simm.s32 $0x108;
	_ =	swait.ge @!p0 [sflag:s8], $0x0  }
0x24: {  	s3 =	sadd.s32 $0x88, s3;
	s6 =	simm.s32 @!p1 $0x1082;
	[sflag:s4] =	ssyncset.s32 $0xFFFFF086  }
0x25: {  	[simem:s6], [sflag:s4] =	dma.local [hbm:s3], $0xF7A  }
0x26: {  	[smem:$0x3F9B] =	sst s1;
	(tag) =	ssettag s2;
	_ =	strace s9  }
0x27: {  	s1 =	sld [smem:$0x3FAB]  }
0x28: {  	s2 =	sld [smem:$0x3FAC]  }
0x29: {  	s4 =	sld [smem:$0x3FAE]  }
0x2a: {  	p0 =	seq.s32 s5, $0x0;
	s5 =	sld [smem:$0x3FAF]  }
0x2b: {  	s6 =	sld [smem:$0x3FB0]  }
0x2c: {  	s7 =	sld [smem:$0x3FB1]  }
0x2d: {  	s3 =	simm.s32 $0x108;
	s8 =	sld [smem:$0x3FB2]  }
0x2e: {  	s3 =	simm.s32 @!p0 $0x1082;
	s9 =	sld [smem:$0x3FB3]  }
0x2f: {  	lr =	sadd.s32 s0, s3;
	s0 =	sld [smem:$0x3FAA]  }
0x30: {  	s3 =	sld [smem:$0x3FAD]  }
0x31: {  	[smem:$0x3FB6] =	sst s10  }
0x32: {  	s10 =	sld [smem:$0x3FB4];
	_ =	sdelay $0x3  }
0x33: {  	p0 =	seq.s32 s10, $0x1;
	s10 =	sld [smem:$0x3FB6];
	_ =	sdelay $0x3  }
0x34: {  	[smem:$0x3FB6] =	sst s10  }
0x35: {  	s10 =	sld [smem:$0x3FB5];
	_ =	sdelay $0x3  }
0x36: {  	p1 =	seq.s32 s10, $0x1;
	s10 =	sld [smem:$0x3FB6];
	_ =	sdelay $0x3  }
0x37: {  	[smem:$0x3FB6] =	sst s10  }
0x38: {  	s10 =	sld [smem:$0x3FB7]  }
0x39: {  	_ = 	snop;
	(pc) =	sbr.ind lr, $3  }
0x3a: {  	_ = 	snop  }
0x3b: {  	_ = 	snop  }
0x3c: {  	p2 =	seq.s32 s10, $0x1;
	s10 =	sld [smem:$0x3FB6]  }
0x3d: {  	_ =	shalt  }
0x3e: {  	_ =	shalt  }
0x3f: {  	_ =	shalt  }
0x40: {  	_ =	shalt  }
0x41: {  	_ =	shalt  }
0x42: {  	_ =	shalt  }
0x43: {  	_ =	shalt  }
0x44: {  	_ =	shalt  }
0x45: {  	_ =	shalt  }
0x46: {  	_ =	shalt  }
0x47: {  	_ =	shalt  }
0x48: {  	_ =	shalt  }
0x49: {  	_ =	shalt  }
0x4a: {  	_ =	shalt  }
0x4b: {  	_ =	shalt  }
0x4c: {  	_ =	shalt  }
0x4d: {  	_ =	shalt  }
0x4e: {  	_ =	shalt  }
0x4f: {  	_ =	shalt  }
0x50: {  	_ =	shalt  }
0x51: {  	_ =	shalt  }
0x52: {  	_ =	shalt  }
0x53: {  	_ =	shalt  }
0x54: {  	_ =	shalt  }
0x55: {  	_ =	shalt  }
0x56: {  	_ =	shalt  }
0x57: {  	_ =	shalt  }
0x58: {  	_ =	shalt  }
0x59: {  	_ =	shalt  }
0x5a: {  	_ =	shalt  }
0x5b: {  	_ =	shalt  }
0x5c: {  	_ =	shalt  }
0x5d: {  	_ =	shalt  }
0x5e: {  	_ =	shalt  }
0x5f: {  	_ =	shalt  }
0x60: {  	_ =	shalt  }
0x61: {  	_ =	shalt  }
0x62: {  	_ =	shalt  }
0x63: {  	_ =	shalt  }
0x64: {  	_ =	shalt  }
0x65: {  	_ =	shalt  }
0x66: {  	_ =	shalt  }
0x67: {  	_ =	shalt  }
0x68: {  	_ =	shalt  }
0x69: {  	_ =	shalt  }
0x6a: {  	_ =	shalt  }
0x6b: {  	_ =	shalt  }
0x6c: {  	_ =	shalt  }
0x6d: {  	_ =	shalt  }
0x6e: {  	_ =	shalt  }
0x6f: {  	_ =	shalt  }
0x70: {  	_ =	shalt  }
0x71: {  	_ =	shalt  }
0x72: {  	_ =	shalt  }
0x73: {  	_ =	shalt  }
0x74: {  	_ =	shalt  }
0x75: {  	_ =	shalt  }
0x76: {  	_ =	shalt  }
0x77: {  	_ =	shalt  }
0x78: {  	_ =	shalt  }
0x79: {  	_ =	shalt  }
0x7a: {  	_ =	shalt  }
0x7b: {  	_ =	shalt  }
0x7c: {  	_ =	shalt  }
0x7d: {  	_ =	shalt  }
0x7e: {  	_ =	shalt  }
0x7f: {  	_ =	shalt  }
0x80: {  	_ =	shalt  }
0x81: {  	_ =	shalt  }
0x82: {  	_ =	shalt  }
0x83: {  	_ =	shalt  }
0x84: {  	_ =	shalt  }
0x85: {  	_ =	shalt  }
0x86: {  	_ =	shalt  }
0x87: {  	_ =	shalt  }
.Lfunc_end0:
.L_simem_size_0:
called_computation.1_lowered:
.L_overlay_start_0:
0x88: {  	s2 =	sld [smem:$0x3FD9]  }
0x89: {  	s3 =	sld [smem:$0x3FFE];
	_ =	sdelay $0x1  }
0x8a: {  	s1 =	srdreg.scid  }
0x8b: {  	s0 =	sand.u32 $0x1, s1  }
0x8c: {  	s16 =	sshll.u32 s0, $0xA;
	s2 =	sadd.s32 s3, s2  }
0x8d: {  	s2 =	sadd.s32 s2, s16  }
0x8e: {  	[smem:$0x3FC2] =	sst s2  }
0x8f: {  	_ = 	snop  }
0x90: {  	(tm) =	ssettm $0x1  }
0x91: {  	s17 =	sld [smem:$0x3FFB];
	_ =	sdelay $0x3  }
0x92: {  	_ =	strace s17  }
0x93: {  	s2 =	sld [smem:$0x3FFC];
	_ =	sdelay $0x3  }
0x94: {  	_ =	strace s2  }
0x95: {  	s2 =	sld [smem:$0x3FFD];
	_ =	sdelay $0x3  }
0x96: {  	_ =	strace s2  }
0x97: {  	_ =	strace $0x8FFFFFFF  }
0x98: {  	s18 =	sld [smem:$0x3FDB];
	_ =	sdelay $0x1  }
0x99: {  	s19 =	simm.s32 $_scs_section_size  }
0x9a: {  	s4 =	simm.s32 $_size__tile_overlayer_lowered;
	s5 =	simm.s32 $_tile_overlayer_lowered  }
0x9b: {  	s22 =	simm.s32 $0x1BFF;
	s21 =	sshll.u32 s5, $0x1;
	s2 =	sadd.s32 s19, s18  }
0x9c: {  	s6 =	simm.s32 $0x0;
	s20 =	sshll.u32 s4, $0x1;
	s4 =	sadd.s32 s21, s2  }
0x9d: {  	[timem:s6], [sflag:s22] =	dma.local [hbm:s4], s20  }
0x9e: {  	_ =	swait.ge [sflag:s22], s20  }
0x9f: {  	s3 =	ssub.s32 $0x0, s20;
	[sflag:s22] =	ssyncset.done $0x0  }
0xa0: {  	[sflag:s22] =	ssyncadd.s32 s3;
	_ =	sdelay $0x1  }
0xa1: {  	s23 =	simm.s32 $0x1B8B  }
0xa2: {  	_ =	swait.ge [sflag:s23], $0x1  }
0xa3: {  	[sflag:s23] =	ssyncset.done $0x0  }
0xa4: {  	s25 =	simm.s32 $0x1B8E;
	s24 =	sld [smem:$0x3FFE];
	[sflag:s23] =	ssyncadd.s32 $0xFFFFFFFF  }
0xa5: {  	s26 =	simm.s32 $execute0_lowered;
	[smem:$0x3FD2] =	sst s25  }
0xa6: {  	s4 =	sshll.u32 s26, $0x1;
	_ =	strace $0x80000049;
	[dreg:$0x1] =	wrdreg $0xFFFFFFFF  }
0xa7: {  	s28 =	simm.s32 $_size_execute0_lowered;
	s2 =	sadd.s32 s2, s4;
	[dreg:$0x0] =	wrdreg $0x0  }
0xa8: {  	s4 =	sshll.u32 s28, $0x1;
	[dreg:$0x2] =	wrdreg s2  }
0xa9: {  	[dreg:$0x3] =	wrdreg s4  }
0xaa: {  	[dreg:$0x4] =	wrdreg $0xC0  }
0xab: {  	_ =	task [dreg:s6], $0x5FFFF  }
0xac: {  	[dreg:$0x1] =	wrdreg $0xFFFFFFFF  }
0xad: {  	[dreg:$0x0] =	wrdreg $0x60  }
0xae: {  	[dreg:$0x2] =	wrdreg s24  }
0xaf: {  	[dreg:$0x3] =	wrdreg $0x0  }
0xb0: {  	[dreg:$0x4] =	wrdreg $0x9  }
0xb1: {  	_ =	task.clear_ibuf [dreg:s6], $0x5FFFF;
	_ =	strace $0x90000049  }
0xb2: {  	s29 =	simm.s32 $0x9;
	_ =	strace $0x8000004B  }
0xb3: {  	_ =	swait.ge [sflag:s29], $0x1  }
0xb4: {  	[sflag:s29] =	ssyncadd.s32 $0xFFFFFFFF  }
0xb5: {  	_ =	strace $0x9000004B  }
0xb6: {  	_ =	sfence  }
0xb7: {  	s30 =	sld [smem:$0x0];
	_ =	sdelay $0x2  }
0xb8: {  	s31 =	sshll.u32 s1, $0xD;
	s1 =	sshrl.u32 s1, $0x2  }
0xb9: {  	s3 =	sand.u32 $0x4000, s31;
	s1 =	sadd.s32 s1, s30  }
0xba: {  	s0 =	sor.u32 s3, s0;
	s1 =	sshll.u32 s1, $0x11  }
0xbb: {  	s0 =	sor.u32 s1, s0  }
0xbc: {  	s0 =	sadd.s32 $0x8F2B, s0  }
0xbd: {  	[sflag:s0] =	ssyncadd.remote.s32 $0x1  }
0xbe: {  	_ =	sfence.sel $0xFFFF  }
0xbf: {  	[dreg:$0x0] =	wrdreg $0xFFFFFFFF;
	(pc) =	sbr.abs _section_cstart, $3  }
0xc0: {  	[dreg:$0x1] =	wrdreg $0xFFFFFFFF  }
0xc1: {  	_ =	task.clear_ibuf [dreg:s6], $0x2FFFF;
	_ =	strace $0x9FFFFFFF  }
0xc2: {  	(tm) =	ssettm $0x7FFFFFFF  }
0xc3: {  	_ =	shalt  }
tec
execute0_lowered:
.L_overlay_start_1:
0x0: {  	(tag) =	ssettag $0x1  }
0x1: {  	s5 =	rddreg [dreg:$0x0]  }
0x2: {  	s2 =	rddreg [dreg:$0x1]  }
0x3: {  	s0 =	rddreg [dreg:$0x2];
	s3 =	simm.s32 $0x0;
	s1 =	stileid.u32  }
0x4: {  	s4 =	srdreg.scid;
	s16 =	simm.s32 $0x15000;
	s17 =	simm.s32 $0x80  }
0x5: {  	s18 =	simm.s32 $0x16400;
	s19 =	simm.s32 $0x13C80;
	s20 =	simm.s32 $0x1A400  }
0x6: {  	s21 =	simm.s32 $0x1;
	[smem:$0x7FF] =	sst s3;
	s6 =	smul.u32 $0x13C00, s1  }
0x7: {  	s7 =	sand.u32 $0x1, s4;
	s4 =	sadd.s32 $0x47200, s5;
	s9 =	sadd.s32 $0xBA00, s5  }
0x8: {  	s11 =	sadd.s32 $0x15A00, s5;
	s22 =	sshll.u32 s1, $0x1;
	s12 =	smul.u32 $0x4F000, s1  }
0x9: {  	s30 =	sshll.u32 s1, $0x6;
	_ =	strace $0x8000004A;
	s8 =	smul.u32 $0x13C000, s7  }
0xa: {  	s23 =	ssub.s32 $0x2, s7;
	s24 =	sor.u32 s7, s22;
	s22 =	simm.s32 $0x2  }
0xb: {  	s10 =	sshrl.u32 s6, $0x3;
	s25 =	sshrl.u32 s23, $0x1;
	s28 =	smul.u32 $0x2800, s24  }
0xc: {  	s26 =	sshrl.u32 s12, $0x2;
	s29 =	smul.u32 $0x500, s24;
	s24 =	simm.s32 $0x16380  }
0xd: {  	s10 =	sadd.s32 s10, s5;
	s6 =	sadd.s32 s6, s8;
	s14 =	ssub.s32 s23, s25  }
0xe: {  	s15 =	sadd.s32 s26, s2;
	s23 =	simm.s32 $0x16300;
	s25 =	simm.s32 $0x0  }
0xf: {  	s6 =	sshrl.u32 s6, $0x3;
	s31 =	sshrl.u32 s28, $0x3;
	s7 =	sadd.s32 s9, s29  }
0x10: {  	s8 =	sadd.s32 s11, s29;
	s12 =	smax.u32 s14, $0x1;
	s14 =	simm.s32 $0x3  }
0x11: {  	s13 =	sadd.s32 s6, s5;
	s5 =	sadd.s32 $0x1FA00, s10;
	s10 =	sadd.s32 $0x280, s31  }
0x12: {  	s6 =	sor.u32 $0x1C03, s30;
	s9 =	sadd.s32 s9, s10;
	s10 =	sadd.s32 s11, s10  }
0x13: {  	s11 =	sadd.s32 $0x6E400, s13;
	s13 =	sshrl.u32 s15, $0x3;
	s15 =	simm.s32 $0x13C00  }
.LBB2_1:
0x14: {  	[spmem:s13], [sflag:s6] =	dma.local [hbm:s5], $0x2780  }
0x15: {  	_ =	swait.ge [sflag:s14], $0x2780  }
0x16: {  	[sflag:s14] =	ssyncset.done $0x0  }
0x17: {  	[sflag:s14] =	ssyncadd.s32 $0xFFFFD880  }
0x18: {  	[bflag:$0x0] =	sbarrier.arrive $0xFFFF  }
0x19: {  	[tilespmem:s15], [sflag:$0x3] =	stream.linear.gather [hbm4b:s7+s3], $0x1400, $0x38;
	[tilespmem:$0x1E400] =	vst v63  }
0x1a: {  	_ =	swait.ge [sflag:s14], $0x1400  }
0x1b: {  	[sflag:s14] =	ssyncset.done $0x0  }
0x1c: {  	[sflag:s14] =	ssyncadd.s32 $0xFFFFEC00  }
0x1d: {  	[tilespmem:s16], [sflag:$0x3] =	stream.linear.gather [hbm4b:s8+s3], $0x1400, $0x38;
	[tilespmem:$0x1E400] =	vst v63  }
0x1e: {  	_ =	swait.ge [sflag:s14], $0x1400  }
0x1f: {  	[sflag:s14] =	ssyncset.done $0x0  }
0x20: {  	[sflag:s14] =	ssyncadd.s32 $0xFFFFEC00  }
0x21: {  	[tilespmem:s18], [sflag:$0x1] =	stream.indirect.gather [hbm4b:s4+s17], $0x80, s15, s17, $0xb8;
	[tilespmem:$0x1E400] =	vst v63  }
0x22: {  	_ = 	snop  }
0x23: {  	[tilespmem:s20], [sflag:$0x2] =	stream.indirect.gather [hbm4b:s4+s17], $0x80, s19, s17, $0xb8;
	[tilespmem:$0x1E400] =	vst v63  }
0x24: {  	_ =	swait.ge [sflag:s21], $0x4000  }
0x25: {  	[sflag:s21] =	ssyncset.done $0x0  }
0x26: {  	s26 =	simm.s32 $0x15000;
	[sflag:s21] =	ssyncadd.s32 $0xFFFFC000  }
0x27: {  	[spmem:s2] =	stream.indirect.scatter.add.f32 [tilespmem:s18], [sflag:$0x3], $0x80, s26, s17, $0xb8;
	[tilespmem:$0x1E400] =	vst v63  }
0x28: {  	_ =	swait.ge [sflag:s14], $0x4000  }
0x29: {  	[sflag:s14] =	ssyncset.done $0x0  }
0x2a: {  	s30 =	simm.s32 $0x13D00;
	[sflag:s14] =	ssyncadd.s32 $0xFFFFC000  }
0x2b: {  	[tilespmem:s18], [sflag:$0x1] =	stream.indirect.gather [hbm4b:s4+s17], $0x80, s30, s17, $0xb8;
	[tilespmem:$0x1E400] =	vst v63  }
0x2c: {  	_ =	swait.ge [sflag:s22], $0x4000  }
0x2d: {  	[sflag:s22] =	ssyncset.done $0x0  }
0x2e: {  	s31 =	simm.s32 $0x15080;
	[sflag:s22] =	ssyncadd.s32 $0xFFFFC000  }
0x2f: {  	[spmem:s2] =	stream.indirect.scatter.add.f32 [tilespmem:s20], [sflag:$0x3], $0x80, s31, s17, $0xb8;
	[tilespmem:$0x1E400] =	vst v63  }
0x30: {  	_ =	swait.ge [sflag:s14], $0x4000  }
0x31: {  	[sflag:s14] =	ssyncset.done $0x0  }
0x32: {  	s28 =	simm.s32 $0x13D80;
	s26 =	simm.s32 $0x400;
	[sflag:s14] =	ssyncadd.s32 $0xFFFFC000  }
.LBB2_2:
0x33: {  	[tilespmem:s20], [sflag:$0x2] =	stream.indirect.gather [hbm4b:s4+s17], $0x80, s28, s17, $0xb8;
	[tilespmem:$0x1E400] =	vst v63  }
0x34: {  	s28 =	smov.u32 s26  }
0x35: {  	p0 =	sne.s32 s26, $0x4800;
	s26 =	sadd.s32 $0x400, s26;
	_ =	swait.ge [sflag:s21], $0x4000  }
0x36: {  	s28 =	sshra.s32 s28, $0x2;
	[sflag:s21] =	ssyncset.done $0x0  }
0x37: {  	s29 =	sadd.s32 $0x15000, s28;
	[sflag:s21] =	ssyncadd.s32 $0xFFFFC000  }
0x38: {  	[spmem:s2] =	stream.indirect.scatter.add.f32 [tilespmem:s18], [sflag:$0x3], $0x80, s29, s17, $0xb8;
	[tilespmem:$0x1E400] =	vst v63  }
0x39: {  	_ =	swait.ge [sflag:s14], $0x4000  }
0x3a: {  	[sflag:s14] =	ssyncset.done $0x0  }
0x3b: {  	s29 =	sadd.s32 $0x13D00, s28;
	[sflag:s14] =	ssyncadd.s32 $0xFFFFC000  }
0x3c: {  	[tilespmem:s18], [sflag:$0x1] =	stream.indirect.gather [hbm4b:s4+s17], $0x80, s29, s17, $0xb8;
	[tilespmem:$0x1E400] =	vst v63  }
0x3d: {  	_ =	swait.ge [sflag:s22], $0x4000  }
0x3e: {  	[sflag:s22] =	ssyncset.done $0x0  }
.Ltmp0:
0x3f: {  	s29 =	sadd.s32 $0x15080, s28;
	[sflag:s22] =	ssyncadd.s32 $0xFFFFC000;
	(pc) =	sbr.rel @p0 .LBB2_2-.Ltmp0, $4  }
0x40: {  	[spmem:s2] =	stream.indirect.scatter.add.f32 [tilespmem:s20], [sflag:$0x3], $0x80, s29, s17, $0xb8;
	[tilespmem:$0x1E400] =	vst v63  }
0x41: {  	_ =	swait.ge [sflag:s14], $0x4000  }
0x42: {  	[sflag:s14] =	ssyncset.done $0x0  }
0x43: {  	s28 =	sadd.s32 $0x13D80, s28;
	[sflag:s14] =	ssyncadd.s32 $0xFFFFC000  }
0x44: {  	[tilespmem:s20], [sflag:$0x2] =	stream.indirect.gather [hbm4b:s4+s17], $0x80, s28, s17, $0xb8;
	[tilespmem:$0x1E400] =	vst v63  }
0x45: {  	_ =	swait.ge [sflag:s21], $0x4000  }
0x46: {  	[sflag:s21] =	ssyncset.done $0x0  }
0x47: {  	[sflag:s21] =	ssyncadd.s32 $0xFFFFC000  }
0x48: {  	[spmem:s2] =	stream.indirect.scatter.add.f32 [tilespmem:s18], [sflag:$0x3], $0x80, s23, s17, $0xb8;
	[tilespmem:$0x1E400] =	vst v63  }
0x49: {  	_ =	swait.ge [sflag:s14], $0x4000  }
0x4a: {  	[sflag:s14] =	ssyncset.done $0x0  }
0x4b: {  	[sflag:s14] =	ssyncadd.s32 $0xFFFFC000  }
0x4c: {  	_ =	swait.ge [sflag:s22], $0x4000  }
0x4d: {  	[sflag:s22] =	ssyncset.done $0x0  }
0x4e: {  	[sflag:s22] =	ssyncadd.s32 $0xFFFFC000  }
0x4f: {  	[spmem:s2] =	stream.indirect.scatter.add.f32 [tilespmem:s20], [sflag:$0x3], $0x80, s24, s17, $0xb8;
	[tilespmem:$0x1E400] =	vst v63  }
0x50: {  	_ =	swait.ge [sflag:s14], $0x4000  }
0x51: {  	[sflag:s14] =	ssyncset.done $0x0  }
0x52: {  	s26 =	simm.s32 $0x0;
	[sflag:s14] =	ssyncadd.s32 $0xFFFFC000  }
0x53: {  	[tilespmem:s15], [sflag:$0x3] =	stream.linear.gather [hbm4b:s9+s26], $0x1400, $0x38;
	[tilespmem:$0x1E400] =	vst v63  }
0x54: {  	_ =	swait.ge [sflag:s14], $0x1400  }
0x55: {  	[sflag:s14] =	ssyncset.done $0x0  }
0x56: {  	[sflag:s14] =	ssyncadd.s32 $0xFFFFEC00  }
0x57: {  	[tilespmem:s16], [sflag:$0x3] =	stream.linear.gather [hbm4b:s10+s26], $0x1400, $0x38;
	[tilespmem:$0x1E400] =	vst v63  }
0x58: {  	_ =	swait.ge [sflag:s14], $0x1400  }
0x59: {  	[sflag:s14] =	ssyncset.done $0x0  }
0x5a: {  	[sflag:s14] =	ssyncadd.s32 $0xFFFFEC00  }
0x5b: {  	[tilespmem:s18], [sflag:$0x1] =	stream.indirect.gather [hbm4b:s4+s17], $0x80, s15, s17, $0xb8;
	[tilespmem:$0x1E400] =	vst v63  }
0x5c: {  	_ = 	snop  }
0x5d: {  	[tilespmem:s20], [sflag:$0x2] =	stream.indirect.gather [hbm4b:s4+s17], $0x80, s19, s17, $0xb8;
	[tilespmem:$0x1E400] =	vst v63  }
0x5e: {  	_ =	swait.ge [sflag:s21], $0x4000  }
0x5f: {  	[sflag:s21] =	ssyncset.done $0x0  }
0x60: {  	s29 =	simm.s32 $0x15000;
	[sflag:s21] =	ssyncadd.s32 $0xFFFFC000  }
0x61: {  	[spmem:s2] =	stream.indirect.scatter.add.f32 [tilespmem:s18], [sflag:$0x3], $0x80, s29, s17, $0xb8;
	[tilespmem:$0x1E400] =	vst v63  }
0x62: {  	_ =	swait.ge [sflag:s14], $0x4000  }
0x63: {  	[sflag:s14] =	ssyncset.done $0x0  }
0x64: {  	s30 =	simm.s32 $0x13D00;
	[sflag:s14] =	ssyncadd.s32 $0xFFFFC000  }
0x65: {  	[tilespmem:s18], [sflag:$0x1] =	stream.indirect.gather [hbm4b:s4+s17], $0x80, s30, s17, $0xb8;
	[tilespmem:$0x1E400] =	vst v63  }
0x66: {  	_ =	swait.ge [sflag:s22], $0x4000  }
0x67: {  	[sflag:s22] =	ssyncset.done $0x0  }
0x68: {  	s31 =	simm.s32 $0x15080;
	[sflag:s22] =	ssyncadd.s32 $0xFFFFC000  }
0x69: {  	[spmem:s2] =	stream.indirect.scatter.add.f32 [tilespmem:s20], [sflag:$0x3], $0x80, s31, s17, $0xb8;
	[tilespmem:$0x1E400] =	vst v63  }
0x6a: {  	_ =	swait.ge [sflag:s14], $0x4000  }
0x6b: {  	[sflag:s14] =	ssyncset.done $0x0  }
0x6c: {  	s28 =	simm.s32 $0x13D80;
	s26 =	simm.s32 $0x400;
	[sflag:s14] =	ssyncadd.s32 $0xFFFFC000  }
.LBB2_4:
0x6d: {  	[tilespmem:s20], [sflag:$0x2] =	stream.indirect.gather [hbm4b:s4+s17], $0x80, s28, s17, $0xb8;
	[tilespmem:$0x1E400] =	vst v63  }
0x6e: {  	s28 =	smov.u32 s26  }
0x6f: {  	p0 =	sne.s32 s26, $0x4800;
	s26 =	sadd.s32 $0x400, s26;
	_ =	swait.ge [sflag:s21], $0x4000  }
0x70: {  	s28 =	sshra.s32 s28, $0x2;
	[sflag:s21] =	ssyncset.done $0x0  }
0x71: {  	s29 =	sadd.s32 $0x15000, s28;
	[sflag:s21] =	ssyncadd.s32 $0xFFFFC000  }
0x72: {  	[spmem:s2] =	stream.indirect.scatter.add.f32 [tilespmem:s18], [sflag:$0x3], $0x80, s29, s17, $0xb8;
	[tilespmem:$0x1E400] =	vst v63  }
0x73: {  	_ =	swait.ge [sflag:s14], $0x4000  }
0x74: {  	[sflag:s14] =	ssyncset.done $0x0  }
0x75: {  	s29 =	sadd.s32 $0x13D00, s28;
	[sflag:s14] =	ssyncadd.s32 $0xFFFFC000  }
0x76: {  	[tilespmem:s18], [sflag:$0x1] =	stream.indirect.gather [hbm4b:s4+s17], $0x80, s29, s17, $0xb8;
	[tilespmem:$0x1E400] =	vst v63  }
0x77: {  	_ =	swait.ge [sflag:s22], $0x4000  }
0x78: {  	[sflag:s22] =	ssyncset.done $0x0  }
.Ltmp1:
0x79: {  	s29 =	sadd.s32 $0x15080, s28;
	[sflag:s22] =	ssyncadd.s32 $0xFFFFC000;
	(pc) =	sbr.rel @p0 .LBB2_4-.Ltmp1, $4  }
0x7a: {  	[spmem:s2] =	stream.indirect.scatter.add.f32 [tilespmem:s20], [sflag:$0x3], $0x80, s29, s17, $0xb8;
	[tilespmem:$0x1E400] =	vst v63  }
0x7b: {  	_ =	swait.ge [sflag:s14], $0x4000  }
0x7c: {  	[sflag:s14] =	ssyncset.done $0x0  }
0x7d: {  	s28 =	sadd.s32 $0x13D80, s28;
	[sflag:s14] =	ssyncadd.s32 $0xFFFFC000  }
0x7e: {  	[tilespmem:s20], [sflag:$0x2] =	stream.indirect.gather [hbm4b:s4+s17], $0x80, s28, s17, $0xb8;
	[tilespmem:$0x1E400] =	vst v63  }
0x7f: {  	_ =	swait.ge [sflag:s21], $0x4000  }
0x80: {  	[sflag:s21] =	ssyncset.done $0x0  }
0x81: {  	[sflag:s21] =	ssyncadd.s32 $0xFFFFC000  }
0x82: {  	[spmem:s2] =	stream.indirect.scatter.add.f32 [tilespmem:s18], [sflag:$0x3], $0x80, s23, s17, $0xb8;
	[tilespmem:$0x1E400] =	vst v63  }
0x83: {  	_ =	swait.ge [sflag:s14], $0x4000  }
0x84: {  	[sflag:s14] =	ssyncset.done $0x0  }
0x85: {  	[sflag:s14] =	ssyncadd.s32 $0xFFFFC000  }
0x86: {  	_ =	swait.ge [sflag:s22], $0x4000  }
0x87: {  	[sflag:s22] =	ssyncset.done $0x0  }
0x88: {  	[sflag:s22] =	ssyncadd.s32 $0xFFFFC000  }
0x89: {  	[spmem:s2] =	stream.indirect.scatter.add.f32 [tilespmem:s20], [sflag:$0x3], $0x80, s24, s17, $0xb8;
	[tilespmem:$0x1E400] =	vst v63  }
0x8a: {  	_ =	swait.ge [sflag:s14], $0x4000  }
0x8b: {  	s25 =	sadd.s32 $0x1, s25;
	[sflag:s14] =	ssyncset.done $0x0  }
0x8c: {  	p0 =	sne.s32 s25, s12;
	[sflag:s14] =	ssyncadd.s32 $0xFFFFC000  }
.Ltmp2:
0x8d: {  	[bflag:$0x0] =	sbarrier.arrive $0xFFFF;
	(pc) =	sbr.rel @p0 .LBB2_1-.Ltmp2, $4  }
0x8e: {  	[hbm:s11], [sflag:s6] =	dma.local [spmem:s13], $0x2780  }
0x8f: {  	_ =	swait.ge [sflag:s14], $0x2780  }
0x90: {  	[sflag:s14] =	ssyncset.done $0x0  }
0x91: {  	[sflag:s14] =	ssyncadd.s32 $0xFFFFD880  }
0x92: {  	_ =	sfence.sel $0x180000  }
0x93: {  	[bflag:$0x0] =	sbarrier.arrive $0xFFFF  }
0x94: {  	p0 =	sne.s32 s1, $0x0;
	_ =	strace $0x9000004A  }
0x95: {  	s0 =	sadd.s32 @!p0 $0x100000, s0;
	[bflag:$0x2] =	sbarrier.arrive $0xFFFF  }
0x96: {  	[sflag:s0] =	ssyncadd.tile.s32 @!p0 $0x1;
	_ =	shalt  }
.Lfunc_end2:
_tile_overlayer_lowered:
.L_overlay_start_2:
0x97: {  	(tag) =	ssettag $0x2  }
0x98: {  	s0 =	rddreg [dreg:$0x0];
	s2 =	stileid.u32  }
0x99: {  	s1 =	rddreg [dreg:$0x1];
	p0 =	sne.s32 s2, $0x0  }
0x9a: {  	s3 =	rddreg [dreg:$0x2];
	[bflag:$0x3] =	sbarrier.arrive $0xFFFF;
	s2 =	simm.s32 @!p0 $0x1C03  }
0x9b: {  	[timem:s3], [sflag:s2] =	dma.local @!p0 [hbm:s0], s1  }
0x9c: {  	s0 =	simm.s32 @!p0 $0x3  }
0x9d: {  	_ =	swait.ge @!p0 [sflag:s0], s1  }
0x9e: {  	s1 =	ssub.s32 @!p0 $0x0, s1;
	[sflag:s0] =	ssyncset.done @!p0 $0x0  }
0x9f: {  	[sflag:s0] =	ssyncadd.s32 @!p0 s1  }
0xa0: {  	[bflag:$0x3] =	sbarrier.arrive $0xFFFF  }
0xa1: {  	_ =	shalt  }

// kernel: kernel.15.cloned.1.call-start
scs
__scs_entry_jumppad:
0x0: {  	(pc) =	sbr.rel $0x88, $3  }
0x1: {  	(tag) =	ssettag $0x0;
	lr =	simm.s32 $0x1  }
0x2: {  	[smem:$0x3F9B] =	sst lr;
	_ =	strace $0xD0000000  }
0x3: {  	_ = 	snop  }
0x4: {  	_ = 	snop  }
0x5: {  	_ = 	snop  }
0x6: {  	_ = 	snop  }
0x7: {  	_ = 	snop  }
__scs_overlays_trampoline_lowered:
0x8: {  	[smem:$0x3FAA] =	sst s0  }
0x9: {  	[smem:$0x3FAB] =	sst s1  }
0xa: {  	[smem:$0x3FAC] =	sst s2  }
0xb: {  	[smem:$0x3FAD] =	sst s3  }
0xc: {  	[smem:$0x3FAE] =	sst s4  }
0xd: {  	[smem:$0x3FAF] =	sst s5  }
0xe: {  	[smem:$0x3FB0] =	sst s6  }
0xf: {  	[smem:$0x3FB1] =	sst s7  }
0x10: {  	[smem:$0x3FB2] =	sst s8  }
0x11: {  	[smem:$0x3FB3] =	sst s9;
	s0 =	simm.s32 @!p0 $0x0  }
0x12: {  	s1 =	sld [smem:$0x3F99];
	s0 =	simm.s32 @p0 $0x1  }
0x13: {  	[smem:$0x3FB4] =	sst s0;
	s0 =	simm.s32 @!p1 $0x0  }
0x14: {  	s2 =	sld [smem:$0x3F98];
	s0 =	simm.s32 @p1 $0x1  }
0x15: {  	[smem:$0x3FB5] =	sst s0;
	s0 =	simm.s32 @!p2 $0x0  }
0x16: {  	s3 =	sld [smem:$0x3FDB];
	s0 =	simm.s32 @p2 $0x1  }
0x17: {  	s4 =	simm.s32 $0x1BF5;
	[smem:$0x3FB7] =	sst s0  }
0x18: {  	s0 =	sld [smem:$0x3F9A];
	_ =	swait.ge [sflag:s4], $0x0  }
0x19: {  	s7 =	sld [smem:$0x3F9B]  }
0x1a: {  	s8 =	sadd.s32 $0xFFFFE003, lr  }
0x1b: {  	s9 =	sadd.s32 $0xFFFFFEF7, lr;
	s5 =	simm.s32 $0xFFFFFFFF;
	p2 =	slt.u32 s8, $0xFFFFF086  }
0x1c: {  	p1 =	slt.u32 s9, $0xF7A;
	s5 =	simm.s32 @!p2 $0x0  }
0x1d: {  	s5 =	simm.s32 @p1 $0x1;
	p0 =	seq.s32 s7, s2  }
0x1e: {  	s7 =	smul.u32 @!p0 $0xF7A, s2;
	p2 =	seq.s32 @!p0 s5, $0x0  }
0x1f: {  	s9 =	smul.u32 $0xF7A, s1;
	s8 =	simm.s32 @!p0 $0x1BF5;
	p2 =	por !p2, p0  }
0x20: {  	[sflag:s8] =	ssyncset.s32 @!p0 $0xFFFFF086;
	s6 =	sadd.s32 @!p0 s3, s7;
	s7 =	simm.s32 @!p0 $0x108  }
0x21: {  	s3 =	sadd.s32 s3, s9;
	s6 =	sadd.s32 @!p0 $0x88, s6;
	s7 =	simm.s32 @p2 $0x1082  }
0x22: {  	[simem:s7], [sflag:s8] =	dma.local @!p0 [hbm:s6], $0xF7A  }
0x23: {  	s9 =	sor.u32 $0xD0000000, s2;
	s6 =	simm.s32 $0x108;
	_ =	swait.ge @!p0 [sflag:s8], $0x0  }
0x24: {  	s3 =	sadd.s32 $0x88, s3;
	s6 =	simm.s32 @!p1 $0x1082;
	[sflag:s4] =	ssyncset.s32 $0xFFFFF086  }
0x25: {  	[simem:s6], [sflag:s4] =	dma.local [hbm:s3], $0xF7A  }
0x26: {  	[smem:$0x3F9B] =	sst s1;
	(tag) =	ssettag s2;
	_ =	strace s9  }
0x27: {  	s1 =	sld [smem:$0x3FAB]  }
0x28: {  	s2 =	sld [smem:$0x3FAC]  }
0x29: {  	s4 =	sld [smem:$0x3FAE]  }
0x2a: {  	p0 =	seq.s32 s5, $0x0;
	s5 =	sld [smem:$0x3FAF]  }
0x2b: {  	s6 =	sld [smem:$0x3FB0]  }
0x2c: {  	s7 =	sld [smem:$0x3FB1]  }
0x2d: {  	s3 =	simm.s32 $0x108;
	s8 =	sld [smem:$0x3FB2]  }
0x2e: {  	s3 =	simm.s32 @!p0 $0x1082;
	s9 =	sld [smem:$0x3FB3]  }
0x2f: {  	lr =	sadd.s32 s0, s3;
	s0 =	sld [smem:$0x3FAA]  }
0x30: {  	s3 =	sld [smem:$0x3FAD]  }
0x31: {  	[smem:$0x3FB6] =	sst s10  }
0x32: {  	s10 =	sld [smem:$0x3FB4];
	_ =	sdelay $0x3  }
0x33: {  	p0 =	seq.s32 s10, $0x1;
	s10 =	sld [smem:$0x3FB6];
	_ =	sdelay $0x3  }
0x34: {  	[smem:$0x3FB6] =	sst s10  }
0x35: {  	s10 =	sld [smem:$0x3FB5];
	_ =	sdelay $0x3  }
0x36: {  	p1 =	seq.s32 s10, $0x1;
	s10 =	sld [smem:$0x3FB6];
	_ =	sdelay $0x3  }
0x37: {  	[smem:$0x3FB6] =	sst s10  }
0x38: {  	s10 =	sld [smem:$0x3FB7]  }
0x39: {  	_ = 	snop;
	(pc) =	sbr.ind lr, $3  }
0x3a: {  	_ = 	snop  }
0x3b: {  	_ = 	snop  }
0x3c: {  	p2 =	seq.s32 s10, $0x1;
	s10 =	sld [smem:$0x3FB6]  }
0x3d: {  	_ =	shalt  }
0x3e: {  	_ =	shalt  }
0x3f: {  	_ =	shalt  }
0x40: {  	_ =	shalt  }
0x41: {  	_ =	shalt  }
0x42: {  	_ =	shalt  }
0x43: {  	_ =	shalt  }
0x44: {  	_ =	shalt  }
0x45: {  	_ =	shalt  }
0x46: {  	_ =	shalt  }
0x47: {  	_ =	shalt  }
0x48: {  	_ =	shalt  }
0x49: {  	_ =	shalt  }
0x4a: {  	_ =	shalt  }
0x4b: {  	_ =	shalt  }
0x4c: {  	_ =	shalt  }
0x4d: {  	_ =	shalt  }
0x4e: {  	_ =	shalt  }
0x4f: {  	_ =	shalt  }
0x50: {  	_ =	shalt  }
0x51: {  	_ =	shalt  }
0x52: {  	_ =	shalt  }
0x53: {  	_ =	shalt  }
0x54: {  	_ =	shalt  }
0x55: {  	_ =	shalt  }
0x56: {  	_ =	shalt  }
0x57: {  	_ =	shalt  }
0x58: {  	_ =	shalt  }
0x59: {  	_ =	shalt  }
0x5a: {  	_ =	shalt  }
0x5b: {  	_ =	shalt  }
0x5c: {  	_ =	shalt  }
0x5d: {  	_ =	shalt  }
0x5e: {  	_ =	shalt  }
0x5f: {  	_ =	shalt  }
0x60: {  	_ =	shalt  }
0x61: {  	_ =	shalt  }
0x62: {  	_ =	shalt  }
0x63: {  	_ =	shalt  }
0x64: {  	_ =	shalt  }
0x65: {  	_ =	shalt  }
0x66: {  	_ =	shalt  }
0x67: {  	_ =	shalt  }
0x68: {  	_ =	shalt  }
0x69: {  	_ =	shalt  }
0x6a: {  	_ =	shalt  }
0x6b: {  	_ =	shalt  }
0x6c: {  	_ =	shalt  }
0x6d: {  	_ =	shalt  }
0x6e: {  	_ =	shalt  }
0x6f: {  	_ =	shalt  }
0x70: {  	_ =	shalt  }
0x71: {  	_ =	shalt  }
0x72: {  	_ =	shalt  }
0x73: {  	_ =	shalt  }
0x74: {  	_ =	shalt  }
0x75: {  	_ =	shalt  }
0x76: {  	_ =	shalt  }
0x77: {  	_ =	shalt  }
0x78: {  	_ =	shalt  }
0x79: {  	_ =	shalt  }
0x7a: {  	_ =	shalt  }
0x7b: {  	_ =	shalt  }
0x7c: {  	_ =	shalt  }
0x7d: {  	_ =	shalt  }
0x7e: {  	_ =	shalt  }
0x7f: {  	_ =	shalt  }
0x80: {  	_ =	shalt  }
0x81: {  	_ =	shalt  }
0x82: {  	_ =	shalt  }
0x83: {  	_ =	shalt  }
0x84: {  	_ =	shalt  }
0x85: {  	_ =	shalt  }
0x86: {  	_ =	shalt  }
0x87: {  	_ =	shalt  }
.Lfunc_end0:
.L_simem_size_0:
called_computation.2_lowered:
.L_overlay_start_0:
0x88: {  	s2 =	sld [smem:$0x3FD9]  }
0x89: {  	s3 =	sld [smem:$0x3FFE];
	_ =	sdelay $0x1  }
0x8a: {  	s1 =	srdreg.scid  }
0x8b: {  	s0 =	sand.u32 $0x1, s1  }
0x8c: {  	s16 =	sshll.u32 s0, $0xA;
	s2 =	sadd.s32 s3, s2  }
0x8d: {  	s2 =	sadd.s32 s2, s16  }
0x8e: {  	[smem:$0x3FC2] =	sst s2  }
0x8f: {  	_ = 	snop  }
0x90: {  	(tm) =	ssettm $0x1  }
0x91: {  	s17 =	sld [smem:$0x3FFB];
	_ =	sdelay $0x3  }
0x92: {  	_ =	strace s17  }
0x93: {  	s2 =	sld [smem:$0x3FFC];
	_ =	sdelay $0x3  }
0x94: {  	_ =	strace s2  }
0x95: {  	s2 =	sld [smem:$0x3FFD];
	_ =	sdelay $0x3  }
0x96: {  	_ =	strace s2  }
0x97: {  	_ =	strace $0x8FFFFFFF  }
0x98: {  	s18 =	sld [smem:$0x3FDB];
	_ =	sdelay $0x1  }
0x99: {  	s19 =	simm.s32 $_scs_section_size  }
0x9a: {  	s4 =	simm.s32 $_size__tile_overlayer_lowered;
	s5 =	simm.s32 $_tile_overlayer_lowered  }
0x9b: {  	s22 =	simm.s32 $0x1BFF;
	s21 =	sshll.u32 s5, $0x1;
	s2 =	sadd.s32 s19, s18  }
0x9c: {  	s6 =	simm.s32 $0x0;
	s20 =	sshll.u32 s4, $0x1;
	s4 =	sadd.s32 s21, s2  }
0x9d: {  	[timem:s6], [sflag:s22] =	dma.local [hbm:s4], s20  }
0x9e: {  	_ =	swait.ge [sflag:s22], s20  }
0x9f: {  	s3 =	ssub.s32 $0x0, s20;
	[sflag:s22] =	ssyncset.done $0x0  }
0xa0: {  	[sflag:s22] =	ssyncadd.s32 s3;
	_ =	sdelay $0x1  }
0xa1: {  	s23 =	simm.s32 $0x1B8B  }
0xa2: {  	_ =	swait.ge [sflag:s23], $0x1  }
0xa3: {  	[sflag:s23] =	ssyncset.done $0x0  }
0xa4: {  	s25 =	simm.s32 $0x1B8E;
	s24 =	sld [smem:$0x3FFE];
	[sflag:s23] =	ssyncadd.s32 $0xFFFFFFFF  }
0xa5: {  	s26 =	simm.s32 $execute0_lowered;
	[smem:$0x3FD2] =	sst s25  }
0xa6: {  	s4 =	sshll.u32 s26, $0x1;
	_ =	strace $0x8000004C;
	[dreg:$0x1] =	wrdreg $0xFFFFFFFF  }
0xa7: {  	s28 =	simm.s32 $_size_execute0_lowered;
	s2 =	sadd.s32 s2, s4;
	[dreg:$0x0] =	wrdreg $0x0  }
0xa8: {  	s4 =	sshll.u32 s28, $0x1;
	[dreg:$0x2] =	wrdreg s2  }
0xa9: {  	[dreg:$0x3] =	wrdreg s4  }
0xaa: {  	[dreg:$0x4] =	wrdreg $0xC0  }
0xab: {  	_ =	task [dreg:s6], $0x5FFFF  }
0xac: {  	[dreg:$0x1] =	wrdreg $0xFFFFFFFF  }
0xad: {  	[dreg:$0x0] =	wrdreg $0x60  }
0xae: {  	[dreg:$0x2] =	wrdreg s24  }
0xaf: {  	[dreg:$0x3] =	wrdreg $0x0  }
0xb0: {  	[dreg:$0x4] =	wrdreg $0x9  }
0xb1: {  	_ =	task.clear_ibuf [dreg:s6], $0x5FFFF;
	_ =	strace $0x9000004C  }
0xb2: {  	s29 =	simm.s32 $0x9;
	_ =	strace $0x8000004E  }
0xb3: {  	_ =	swait.ge [sflag:s29], $0x1  }
0xb4: {  	[sflag:s29] =	ssyncadd.s32 $0xFFFFFFFF  }
0xb5: {  	_ =	strace $0x9000004E  }
0xb6: {  	_ =	sfence  }
0xb7: {  	s30 =	sld [smem:$0x0];
	_ =	sdelay $0x2  }
0xb8: {  	s31 =	sshll.u32 s1, $0xD;
	s1 =	sshrl.u32 s1, $0x2  }
0xb9: {  	s3 =	sand.u32 $0x4000, s31;
	s1 =	sadd.s32 s1, s30  }
0xba: {  	s0 =	sor.u32 s3, s0;
	s1 =	sshll.u32 s1, $0x11  }
0xbb: {  	s0 =	sor.u32 s1, s0  }
0xbc: {  	s0 =	sadd.s32 $0x8F2B, s0  }
0xbd: {  	[sflag:s0] =	ssyncadd.remote.s32 $0x1  }
0xbe: {  	_ =	sfence.sel $0xFFFF  }
0xbf: {  	[dreg:$0x0] =	wrdreg $0xFFFFFFFF;
	(pc) =	sbr.abs _section_cstart, $3  }
0xc0: {  	[dreg:$0x1] =	wrdreg $0xFFFFFFFF  }
0xc1: {  	_ =	task.clear_ibuf [dreg:s6], $0x2FFFF;
	_ =	strace $0x9FFFFFFF  }
0xc2: {  	(tm) =	ssettm $0x7FFFFFFF  }
0xc3: {  	_ =	shalt  }
tec
execute0_lowered:
.L_overlay_start_1:
0x0: {  	(tag) =	ssettag $0x1  }
0x1: {  	s5 =	rddreg [dreg:$0x0]  }
0x2: {  	s2 =	rddreg [dreg:$0x1]  }
0x3: {  	s0 =	rddreg [dreg:$0x2];
	s3 =	simm.s32 $0x0;
	s1 =	stileid.u32  }
0x4: {  	s4 =	srdreg.scid;
	s16 =	simm.s32 $0x15000;
	s17 =	simm.s32 $0x80  }
0x5: {  	s18 =	simm.s32 $0x16400;
	s19 =	simm.s32 $0x13C80;
	s20 =	simm.s32 $0x1A400  }
0x6: {  	s21 =	simm.s32 $0x1;
	[smem:$0x7FF] =	sst s3;
	s6 =	smul.u32 $0x13C00, s1  }
0x7: {  	s7 =	sand.u32 $0x1, s4;
	s4 =	sadd.s32 $0x47200, s5;
	s9 =	sadd.s32 $0xBA00, s5  }
0x8: {  	s11 =	sadd.s32 $0x15A00, s5;
	s22 =	sshll.u32 s1, $0x1;
	s12 =	smul.u32 $0x4F000, s1  }
0x9: {  	s30 =	sshll.u32 s1, $0x6;
	_ =	strace $0x8000004D;
	s8 =	smul.u32 $0x13C000, s7  }
0xa: {  	s23 =	ssub.s32 $0x2, s7;
	s24 =	sor.u32 s7, s22;
	s22 =	simm.s32 $0x2  }
0xb: {  	s10 =	sshrl.u32 s6, $0x3;
	s25 =	sshrl.u32 s23, $0x1;
	s28 =	smul.u32 $0x2800, s24  }
0xc: {  	s26 =	sshrl.u32 s12, $0x2;
	s29 =	smul.u32 $0x500, s24;
	s24 =	simm.s32 $0x16380  }
0xd: {  	s10 =	sadd.s32 s10, s5;
	s6 =	sadd.s32 s6, s8;
	s14 =	ssub.s32 s23, s25  }
0xe: {  	s15 =	sadd.s32 s26, s2;
	s23 =	simm.s32 $0x16300;
	s25 =	simm.s32 $0x0  }
0xf: {  	s6 =	sshrl.u32 s6, $0x3;
	s31 =	sshrl.u32 s28, $0x3;
	s7 =	sadd.s32 s9, s29  }
0x10: {  	s8 =	sadd.s32 s11, s29;
	s12 =	smax.u32 s14, $0x1;
	s14 =	simm.s32 $0x3  }
0x11: {  	s13 =	sadd.s32 s6, s5;
	s5 =	sadd.s32 $0x1FA00, s10;
	s10 =	sadd.s32 $0x280, s31  }
0x12: {  	s6 =	sor.u32 $0x1C03, s30;
	s9 =	sadd.s32 s9, s10;
	s10 =	sadd.s32 s11, s10  }
0x13: {  	s11 =	sadd.s32 $0x95600, s13;
	s13 =	sshrl.u32 s15, $0x3;
	s15 =	simm.s32 $0x13C00  }
.LBB2_1:
0x14: {  	[spmem:s13], [sflag:s6] =	dma.local [hbm:s5], $0x2780  }
0x15: {  	_ =	swait.ge [sflag:s14], $0x2780  }
0x16: {  	[sflag:s14] =	ssyncset.done $0x0  }
0x17: {  	[sflag:s14] =	ssyncadd.s32 $0xFFFFD880  }
0x18: {  	[bflag:$0x0] =	sbarrier.arrive $0xFFFF  }
0x19: {  	[tilespmem:s15], [sflag:$0x3] =	stream.linear.gather [hbm4b:s7+s3], $0x1400, $0x38;
	[tilespmem:$0x1E400] =	vst v63  }
0x1a: {  	_ =	swait.ge [sflag:s14], $0x1400  }
0x1b: {  	[sflag:s14] =	ssyncset.done $0x0  }
0x1c: {  	[sflag:s14] =	ssyncadd.s32 $0xFFFFEC00  }
0x1d: {  	[tilespmem:s16], [sflag:$0x3] =	stream.linear.gather [hbm4b:s8+s3], $0x1400, $0x38;
	[tilespmem:$0x1E400] =	vst v63  }
0x1e: {  	_ =	swait.ge [sflag:s14], $0x1400  }
0x1f: {  	[sflag:s14] =	ssyncset.done $0x0  }
0x20: {  	[sflag:s14] =	ssyncadd.s32 $0xFFFFEC00  }
0x21: {  	[tilespmem:s18], [sflag:$0x1] =	stream.indirect.gather [hbm4b:s4+s17], $0x80, s15, s17, $0xb8;
	[tilespmem:$0x1E400] =	vst v63  }
0x22: {  	_ = 	snop  }
0x23: {  	[tilespmem:s20], [sflag:$0x2] =	stream.indirect.gather [hbm4b:s4+s17], $0x80, s19, s17, $0xb8;
	[tilespmem:$0x1E400] =	vst v63  }
0x24: {  	_ =	swait.ge [sflag:s21], $0x4000  }
0x25: {  	[sflag:s21] =	ssyncset.done $0x0  }
0x26: {  	s26 =	simm.s32 $0x15000;
	[sflag:s21] =	ssyncadd.s32 $0xFFFFC000  }
0x27: {  	[spmem:s2] =	stream.indirect.scatter.add.f32 [tilespmem:s18], [sflag:$0x3], $0x80, s26, s17, $0xb8;
	[tilespmem:$0x1E400] =	vst v63  }
0x28: {  	_ =	swait.ge [sflag:s14], $0x4000  }
0x29: {  	[sflag:s14] =	ssyncset.done $0x0  }
0x2a: {  	s30 =	simm.s32 $0x13D00;
	[sflag:s14] =	ssyncadd.s32 $0xFFFFC000  }
0x2b: {  	[tilespmem:s18], [sflag:$0x1] =	stream.indirect.gather [hbm4b:s4+s17], $0x80, s30, s17, $0xb8;
	[tilespmem:$0x1E400] =	vst v63  }
0x2c: {  	_ =	swait.ge [sflag:s22], $0x4000  }
0x2d: {  	[sflag:s22] =	ssyncset.done $0x0  }
0x2e: {  	s31 =	simm.s32 $0x15080;
	[sflag:s22] =	ssyncadd.s32 $0xFFFFC000  }
0x2f: {  	[spmem:s2] =	stream.indirect.scatter.add.f32 [tilespmem:s20], [sflag:$0x3], $0x80, s31, s17, $0xb8;
	[tilespmem:$0x1E400] =	vst v63  }
0x30: {  	_ =	swait.ge [sflag:s14], $0x4000  }
0x31: {  	[sflag:s14] =	ssyncset.done $0x0  }
0x32: {  	s28 =	simm.s32 $0x13D80;
	s26 =	simm.s32 $0x400;
	[sflag:s14] =	ssyncadd.s32 $0xFFFFC000  }
.LBB2_2:
0x33: {  	[tilespmem:s20], [sflag:$0x2] =	stream.indirect.gather [hbm4b:s4+s17], $0x80, s28, s17, $0xb8;
	[tilespmem:$0x1E400] =	vst v63  }
0x34: {  	s28 =	smov.u32 s26  }
0x35: {  	p0 =	sne.s32 s26, $0x4800;
	s26 =	sadd.s32 $0x400, s26;
	_ =	swait.ge [sflag:s21], $0x4000  }
0x36: {  	s28 =	sshra.s32 s28, $0x2;
	[sflag:s21] =	ssyncset.done $0x0  }
0x37: {  	s29 =	sadd.s32 $0x15000, s28;
	[sflag:s21] =	ssyncadd.s32 $0xFFFFC000  }
0x38: {  	[spmem:s2] =	stream.indirect.scatter.add.f32 [tilespmem:s18], [sflag:$0x3], $0x80, s29, s17, $0xb8;
	[tilespmem:$0x1E400] =	vst v63  }
0x39: {  	_ =	swait.ge [sflag:s14], $0x4000  }
0x3a: {  	[sflag:s14] =	ssyncset.done $0x0  }
0x3b: {  	s29 =	sadd.s32 $0x13D00, s28;
	[sflag:s14] =	ssyncadd.s32 $0xFFFFC000  }
0x3c: {  	[tilespmem:s18], [sflag:$0x1] =	stream.indirect.gather [hbm4b:s4+s17], $0x80, s29, s17, $0xb8;
	[tilespmem:$0x1E400] =	vst v63  }
0x3d: {  	_ =	swait.ge [sflag:s22], $0x4000  }
0x3e: {  	[sflag:s22] =	ssyncset.done $0x0  }
.Ltmp0:
0x3f: {  	s29 =	sadd.s32 $0x15080, s28;
	[sflag:s22] =	ssyncadd.s32 $0xFFFFC000;
	(pc) =	sbr.rel @p0 .LBB2_2-.Ltmp0, $4  }
0x40: {  	[spmem:s2] =	stream.indirect.scatter.add.f32 [tilespmem:s20], [sflag:$0x3], $0x80, s29, s17, $0xb8;
	[tilespmem:$0x1E400] =	vst v63  }
0x41: {  	_ =	swait.ge [sflag:s14], $0x4000  }
0x42: {  	[sflag:s14] =	ssyncset.done $0x0  }
0x43: {  	s28 =	sadd.s32 $0x13D80, s28;
	[sflag:s14] =	ssyncadd.s32 $0xFFFFC000  }
0x44: {  	[tilespmem:s20], [sflag:$0x2] =	stream.indirect.gather [hbm4b:s4+s17], $0x80, s28, s17, $0xb8;
	[tilespmem:$0x1E400] =	vst v63  }
0x45: {  	_ =	swait.ge [sflag:s21], $0x4000  }
0x46: {  	[sflag:s21] =	ssyncset.done $0x0  }
0x47: {  	[sflag:s21] =	ssyncadd.s32 $0xFFFFC000  }
0x48: {  	[spmem:s2] =	stream.indirect.scatter.add.f32 [tilespmem:s18], [sflag:$0x3], $0x80, s23, s17, $0xb8;
	[tilespmem:$0x1E400] =	vst v63  }
0x49: {  	_ =	swait.ge [sflag:s14], $0x4000  }
0x4a: {  	[sflag:s14] =	ssyncset.done $0x0  }
0x4b: {  	[sflag:s14] =	ssyncadd.s32 $0xFFFFC000  }
0x4c: {  	_ =	swait.ge [sflag:s22], $0x4000  }
0x4d: {  	[sflag:s22] =	ssyncset.done $0x0  }
0x4e: {  	[sflag:s22] =	ssyncadd.s32 $0xFFFFC000  }
0x4f: {  	[spmem:s2] =	stream.indirect.scatter.add.f32 [tilespmem:s20], [sflag:$0x3], $0x80, s24, s17, $0xb8;
	[tilespmem:$0x1E400] =	vst v63  }
0x50: {  	_ =	swait.ge [sflag:s14], $0x4000  }
0x51: {  	[sflag:s14] =	ssyncset.done $0x0  }
0x52: {  	s26 =	simm.s32 $0x0;
	[sflag:s14] =	ssyncadd.s32 $0xFFFFC000  }
0x53: {  	[tilespmem:s15], [sflag:$0x3] =	stream.linear.gather [hbm4b:s9+s26], $0x1400, $0x38;
	[tilespmem:$0x1E400] =	vst v63  }
0x54: {  	_ =	swait.ge [sflag:s14], $0x1400  }
0x55: {  	[sflag:s14] =	ssyncset.done $0x0  }
0x56: {  	[sflag:s14] =	ssyncadd.s32 $0xFFFFEC00  }
0x57: {  	[tilespmem:s16], [sflag:$0x3] =	stream.linear.gather [hbm4b:s10+s26], $0x1400, $0x38;
	[tilespmem:$0x1E400] =	vst v63  }
0x58: {  	_ =	swait.ge [sflag:s14], $0x1400  }
0x59: {  	[sflag:s14] =	ssyncset.done $0x0  }
0x5a: {  	[sflag:s14] =	ssyncadd.s32 $0xFFFFEC00  }
0x5b: {  	[tilespmem:s18], [sflag:$0x1] =	stream.indirect.gather [hbm4b:s4+s17], $0x80, s15, s17, $0xb8;
	[tilespmem:$0x1E400] =	vst v63  }
0x5c: {  	_ = 	snop  }
0x5d: {  	[tilespmem:s20], [sflag:$0x2] =	stream.indirect.gather [hbm4b:s4+s17], $0x80, s19, s17, $0xb8;
	[tilespmem:$0x1E400] =	vst v63  }
0x5e: {  	_ =	swait.ge [sflag:s21], $0x4000  }
0x5f: {  	[sflag:s21] =	ssyncset.done $0x0  }
0x60: {  	s29 =	simm.s32 $0x15000;
	[sflag:s21] =	ssyncadd.s32 $0xFFFFC000  }
0x61: {  	[spmem:s2] =	stream.indirect.scatter.add.f32 [tilespmem:s18], [sflag:$0x3], $0x80, s29, s17, $0xb8;
	[tilespmem:$0x1E400] =	vst v63  }
0x62: {  	_ =	swait.ge [sflag:s14], $0x4000  }
0x63: {  	[sflag:s14] =	ssyncset.done $0x0  }
0x64: {  	s30 =	simm.s32 $0x13D00;
	[sflag:s14] =	ssyncadd.s32 $0xFFFFC000  }
0x65: {  	[tilespmem:s18], [sflag:$0x1] =	stream.indirect.gather [hbm4b:s4+s17], $0x80, s30, s17, $0xb8;
	[tilespmem:$0x1E400] =	vst v63  }
0x66: {  	_ =	swait.ge [sflag:s22], $0x4000  }
0x67: {  	[sflag:s22] =	ssyncset.done $0x0  }
0x68: {  	s31 =	simm.s32 $0x15080;
	[sflag:s22] =	ssyncadd.s32 $0xFFFFC000  }
0x69: {  	[spmem:s2] =	stream.indirect.scatter.add.f32 [tilespmem:s20], [sflag:$0x3], $0x80, s31, s17, $0xb8;
	[tilespmem:$0x1E400] =	vst v63  }
0x6a: {  	_ =	swait.ge [sflag:s14], $0x4000  }
0x6b: {  	[sflag:s14] =	ssyncset.done $0x0  }
0x6c: {  	s28 =	simm.s32 $0x13D80;
	s26 =	simm.s32 $0x400;
	[sflag:s14] =	ssyncadd.s32 $0xFFFFC000  }
.LBB2_4:
0x6d: {  	[tilespmem:s20], [sflag:$0x2] =	stream.indirect.gather [hbm4b:s4+s17], $0x80, s28, s17, $0xb8;
	[tilespmem:$0x1E400] =	vst v63  }
0x6e: {  	s28 =	smov.u32 s26  }
0x6f: {  	p0 =	sne.s32 s26, $0x4800;
	s26 =	sadd.s32 $0x400, s26;
	_ =	swait.ge [sflag:s21], $0x4000  }
0x70: {  	s28 =	sshra.s32 s28, $0x2;
	[sflag:s21] =	ssyncset.done $0x0  }
0x71: {  	s29 =	sadd.s32 $0x15000, s28;
	[sflag:s21] =	ssyncadd.s32 $0xFFFFC000  }
0x72: {  	[spmem:s2] =	stream.indirect.scatter.add.f32 [tilespmem:s18], [sflag:$0x3], $0x80, s29, s17, $0xb8;
	[tilespmem:$0x1E400] =	vst v63  }
0x73: {  	_ =	swait.ge [sflag:s14], $0x4000  }
0x74: {  	[sflag:s14] =	ssyncset.done $0x0  }
0x75: {  	s29 =	sadd.s32 $0x13D00, s28;
	[sflag:s14] =	ssyncadd.s32 $0xFFFFC000  }
0x76: {  	[tilespmem:s18], [sflag:$0x1] =	stream.indirect.gather [hbm4b:s4+s17], $0x80, s29, s17, $0xb8;
	[tilespmem:$0x1E400] =	vst v63  }
0x77: {  	_ =	swait.ge [sflag:s22], $0x4000  }
0x78: {  	[sflag:s22] =	ssyncset.done $0x0  }
.Ltmp1:
0x79: {  	s29 =	sadd.s32 $0x15080, s28;
	[sflag:s22] =	ssyncadd.s32 $0xFFFFC000;
	(pc) =	sbr.rel @p0 .LBB2_4-.Ltmp1, $4  }
0x7a: {  	[spmem:s2] =	stream.indirect.scatter.add.f32 [tilespmem:s20], [sflag:$0x3], $0x80, s29, s17, $0xb8;
	[tilespmem:$0x1E400] =	vst v63  }
0x7b: {  	_ =	swait.ge [sflag:s14], $0x4000  }
0x7c: {  	[sflag:s14] =	ssyncset.done $0x0  }
0x7d: {  	s28 =	sadd.s32 $0x13D80, s28;
	[sflag:s14] =	ssyncadd.s32 $0xFFFFC000  }
0x7e: {  	[tilespmem:s20], [sflag:$0x2] =	stream.indirect.gather [hbm4b:s4+s17], $0x80, s28, s17, $0xb8;
	[tilespmem:$0x1E400] =	vst v63  }
0x7f: {  	_ =	swait.ge [sflag:s21], $0x4000  }
0x80: {  	[sflag:s21] =	ssyncset.done $0x0  }
0x81: {  	[sflag:s21] =	ssyncadd.s32 $0xFFFFC000  }
0x82: {  	[spmem:s2] =	stream.indirect.scatter.add.f32 [tilespmem:s18], [sflag:$0x3], $0x80, s23, s17, $0xb8;
	[tilespmem:$0x1E400] =	vst v63  }
0x83: {  	_ =	swait.ge [sflag:s14], $0x4000  }
0x84: {  	[sflag:s14] =	ssyncset.done $0x0  }
0x85: {  	[sflag:s14] =	ssyncadd.s32 $0xFFFFC000  }
0x86: {  	_ =	swait.ge [sflag:s22], $0x4000  }
0x87: {  	[sflag:s22] =	ssyncset.done $0x0  }
0x88: {  	[sflag:s22] =	ssyncadd.s32 $0xFFFFC000  }
0x89: {  	[spmem:s2] =	stream.indirect.scatter.add.f32 [tilespmem:s20], [sflag:$0x3], $0x80, s24, s17, $0xb8;
	[tilespmem:$0x1E400] =	vst v63  }
0x8a: {  	_ =	swait.ge [sflag:s14], $0x4000  }
0x8b: {  	s25 =	sadd.s32 $0x1, s25;
	[sflag:s14] =	ssyncset.done $0x0  }
0x8c: {  	p0 =	sne.s32 s25, s12;
	[sflag:s14] =	ssyncadd.s32 $0xFFFFC000  }
.Ltmp2:
0x8d: {  	[bflag:$0x0] =	sbarrier.arrive $0xFFFF;
	(pc) =	sbr.rel @p0 .LBB2_1-.Ltmp2, $4  }
0x8e: {  	[hbm:s11], [sflag:s6] =	dma.local [spmem:s13], $0x2780  }
0x8f: {  	_ =	swait.ge [sflag:s14], $0x2780  }
0x90: {  	[sflag:s14] =	ssyncset.done $0x0  }
0x91: {  	[sflag:s14] =	ssyncadd.s32 $0xFFFFD880  }
0x92: {  	_ =	sfence.sel $0x180000  }
0x93: {  	[bflag:$0x0] =	sbarrier.arrive $0xFFFF  }
0x94: {  	p0 =	sne.s32 s1, $0x0;
	_ =	strace $0x9000004D  }
0x95: {  	s0 =	sadd.s32 @!p0 $0x100000, s0;
	[bflag:$0x2] =	sbarrier.arrive $0xFFFF  }
0x96: {  	[sflag:s0] =	ssyncadd.tile.s32 @!p0 $0x1;
	_ =	shalt  }
.Lfunc_end2:
_tile_overlayer_lowered:
.L_overlay_start_2:
0x97: {  	(tag) =	ssettag $0x2  }
0x98: {  	s0 =	rddreg [dreg:$0x0];
	s2 =	stileid.u32  }
0x99: {  	s1 =	rddreg [dreg:$0x1];
	p0 =	sne.s32 s2, $0x0  }
0x9a: {  	s3 =	rddreg [dreg:$0x2];
	[bflag:$0x3] =	sbarrier.arrive $0xFFFF;
	s2 =	simm.s32 @!p0 $0x1C03  }
0x9b: {  	[timem:s3], [sflag:s2] =	dma.local @!p0 [hbm:s0], s1  }
0x9c: {  	s0 =	simm.s32 @!p0 $0x3  }
0x9d: {  	_ =	swait.ge @!p0 [sflag:s0], s1  }
0x9e: {  	s1 =	ssub.s32 @!p0 $0x0, s1;
	[sflag:s0] =	ssyncset.done @!p0 $0x0  }
0x9f: {  	[sflag:s0] =	ssyncadd.s32 @!p0 s1  }
0xa0: {  	[bflag:$0x3] =	sbarrier.arrive $0xFFFF  }
0xa1: {  	_ =	shalt  }

// kernel: kernel.9.cloned.1.call-start
scs
__scs_entry_jumppad:
0x0: {  	(pc) =	sbr.rel $0x88, $3  }
0x1: {  	(tag) =	ssettag $0x0;
	lr =	simm.s32 $0x1  }
0x2: {  	[smem:$0x3F9B] =	sst lr;
	_ =	strace $0xD0000000  }
0x3: {  	_ = 	snop  }
0x4: {  	_ = 	snop  }
0x5: {  	_ = 	snop  }
0x6: {  	_ = 	snop  }
0x7: {  	_ = 	snop  }
__scs_overlays_trampoline_lowered:
0x8: {  	[smem:$0x3FAA] =	sst s0  }
0x9: {  	[smem:$0x3FAB] =	sst s1  }
0xa: {  	[smem:$0x3FAC] =	sst s2  }
0xb: {  	[smem:$0x3FAD] =	sst s3  }
0xc: {  	[smem:$0x3FAE] =	sst s4  }
0xd: {  	[smem:$0x3FAF] =	sst s5  }
0xe: {  	[smem:$0x3FB0] =	sst s6  }
0xf: {  	[smem:$0x3FB1] =	sst s7  }
0x10: {  	[smem:$0x3FB2] =	sst s8  }
0x11: {  	[smem:$0x3FB3] =	sst s9;
	s0 =	simm.s32 @!p0 $0x0  }
0x12: {  	s1 =	sld [smem:$0x3F99];
	s0 =	simm.s32 @p0 $0x1  }
0x13: {  	[smem:$0x3FB4] =	sst s0;
	s0 =	simm.s32 @!p1 $0x0  }
0x14: {  	s2 =	sld [smem:$0x3F98];
	s0 =	simm.s32 @p1 $0x1  }
0x15: {  	[smem:$0x3FB5] =	sst s0;
	s0 =	simm.s32 @!p2 $0x0  }
0x16: {  	s3 =	sld [smem:$0x3FDB];
	s0 =	simm.s32 @p2 $0x1  }
0x17: {  	s4 =	simm.s32 $0x1BF5;
	[smem:$0x3FB7] =	sst s0  }
0x18: {  	s0 =	sld [smem:$0x3F9A];
	_ =	swait.ge [sflag:s4], $0x0  }
0x19: {  	s7 =	sld [smem:$0x3F9B]  }
0x1a: {  	s8 =	sadd.s32 $0xFFFFE003, lr  }
0x1b: {  	s9 =	sadd.s32 $0xFFFFFEF7, lr;
	s5 =	simm.s32 $0xFFFFFFFF;
	p2 =	slt.u32 s8, $0xFFFFF086  }
0x1c: {  	p1 =	slt.u32 s9, $0xF7A;
	s5 =	simm.s32 @!p2 $0x0  }
0x1d: {  	s5 =	simm.s32 @p1 $0x1;
	p0 =	seq.s32 s7, s2  }
0x1e: {  	s7 =	smul.u32 @!p0 $0xF7A, s2;
	p2 =	seq.s32 @!p0 s5, $0x0  }
0x1f: {  	s9 =	smul.u32 $0xF7A, s1;
	s8 =	simm.s32 @!p0 $0x1BF5;
	p2 =	por !p2, p0  }
0x20: {  	[sflag:s8] =	ssyncset.s32 @!p0 $0xFFFFF086;
	s6 =	sadd.s32 @!p0 s3, s7;
	s7 =	simm.s32 @!p0 $0x108  }
0x21: {  	s3 =	sadd.s32 s3, s9;
	s6 =	sadd.s32 @!p0 $0x88, s6;
	s7 =	simm.s32 @p2 $0x1082  }
0x22: {  	[simem:s7], [sflag:s8] =	dma.local @!p0 [hbm:s6], $0xF7A  }
0x23: {  	s9 =	sor.u32 $0xD0000000, s2;
	s6 =	simm.s32 $0x108;
	_ =	swait.ge @!p0 [sflag:s8], $0x0  }
0x24: {  	s3 =	sadd.s32 $0x88, s3;
	s6 =	simm.s32 @!p1 $0x1082;
	[sflag:s4] =	ssyncset.s32 $0xFFFFF086  }
0x25: {  	[simem:s6], [sflag:s4] =	dma.local [hbm:s3], $0xF7A  }
0x26: {  	[smem:$0x3F9B] =	sst s1;
	(tag) =	ssettag s2;
	_ =	strace s9  }
0x27: {  	s1 =	sld [smem:$0x3FAB]  }
0x28: {  	s2 =	sld [smem:$0x3FAC]  }
0x29: {  	s4 =	sld [smem:$0x3FAE]  }
0x2a: {  	p0 =	seq.s32 s5, $0x0;
	s5 =	sld [smem:$0x3FAF]  }
0x2b: {  	s6 =	sld [smem:$0x3FB0]  }
0x2c: {  	s7 =	sld [smem:$0x3FB1]  }
0x2d: {  	s3 =	simm.s32 $0x108;
	s8 =	sld [smem:$0x3FB2]  }
0x2e: {  	s3 =	simm.s32 @!p0 $0x1082;
	s9 =	sld [smem:$0x3FB3]  }
0x2f: {  	lr =	sadd.s32 s0, s3;
	s0 =	sld [smem:$0x3FAA]  }
0x30: {  	s3 =	sld [smem:$0x3FAD]  }
0x31: {  	[smem:$0x3FB6] =	sst s10  }
0x32: {  	s10 =	sld [smem:$0x3FB4];
	_ =	sdelay $0x3  }
0x33: {  	p0 =	seq.s32 s10, $0x1;
	s10 =	sld [smem:$0x3FB6];
	_ =	sdelay $0x3  }
0x34: {  	[smem:$0x3FB6] =	sst s10  }
0x35: {  	s10 =	sld [smem:$0x3FB5];
	_ =	sdelay $0x3  }
0x36: {  	p1 =	seq.s32 s10, $0x1;
	s10 =	sld [smem:$0x3FB6];
	_ =	sdelay $0x3  }
0x37: {  	[smem:$0x3FB6] =	sst s10  }
0x38: {  	s10 =	sld [smem:$0x3FB7]  }
0x39: {  	_ = 	snop;
	(pc) =	sbr.ind lr, $3  }
0x3a: {  	_ = 	snop  }
0x3b: {  	_ = 	snop  }
0x3c: {  	p2 =	seq.s32 s10, $0x1;
	s10 =	sld [smem:$0x3FB6]  }
0x3d: {  	_ =	shalt  }
0x3e: {  	_ =	shalt  }
0x3f: {  	_ =	shalt  }
0x40: {  	_ =	shalt  }
0x41: {  	_ =	shalt  }
0x42: {  	_ =	shalt  }
0x43: {  	_ =	shalt  }
0x44: {  	_ =	shalt  }
0x45: {  	_ =	shalt  }
0x46: {  	_ =	shalt  }
0x47: {  	_ =	shalt  }
0x48: {  	_ =	shalt  }
0x49: {  	_ =	shalt  }
0x4a: {  	_ =	shalt  }
0x4b: {  	_ =	shalt  }
0x4c: {  	_ =	shalt  }
0x4d: {  	_ =	shalt  }
0x4e: {  	_ =	shalt  }
0x4f: {  	_ =	shalt  }
0x50: {  	_ =	shalt  }
0x51: {  	_ =	shalt  }
0x52: {  	_ =	shalt  }
0x53: {  	_ =	shalt  }
0x54: {  	_ =	shalt  }
0x55: {  	_ =	shalt  }
0x56: {  	_ =	shalt  }
0x57: {  	_ =	shalt  }
0x58: {  	_ =	shalt  }
0x59: {  	_ =	shalt  }
0x5a: {  	_ =	shalt  }
0x5b: {  	_ =	shalt  }
0x5c: {  	_ =	shalt  }
0x5d: {  	_ =	shalt  }
0x5e: {  	_ =	shalt  }
0x5f: {  	_ =	shalt  }
0x60: {  	_ =	shalt  }
0x61: {  	_ =	shalt  }
0x62: {  	_ =	shalt  }
0x63: {  	_ =	shalt  }
0x64: {  	_ =	shalt  }
0x65: {  	_ =	shalt  }
0x66: {  	_ =	shalt  }
0x67: {  	_ =	shalt  }
0x68: {  	_ =	shalt  }
0x69: {  	_ =	shalt  }
0x6a: {  	_ =	shalt  }
0x6b: {  	_ =	shalt  }
0x6c: {  	_ =	shalt  }
0x6d: {  	_ =	shalt  }
0x6e: {  	_ =	shalt  }
0x6f: {  	_ =	shalt  }
0x70: {  	_ =	shalt  }
0x71: {  	_ =	shalt  }
0x72: {  	_ =	shalt  }
0x73: {  	_ =	shalt  }
0x74: {  	_ =	shalt  }
0x75: {  	_ =	shalt  }
0x76: {  	_ =	shalt  }
0x77: {  	_ =	shalt  }
0x78: {  	_ =	shalt  }
0x79: {  	_ =	shalt  }
0x7a: {  	_ =	shalt  }
0x7b: {  	_ =	shalt  }
0x7c: {  	_ =	shalt  }
0x7d: {  	_ =	shalt  }
0x7e: {  	_ =	shalt  }
0x7f: {  	_ =	shalt  }
0x80: {  	_ =	shalt  }
0x81: {  	_ =	shalt  }
0x82: {  	_ =	shalt  }
0x83: {  	_ =	shalt  }
0x84: {  	_ =	shalt  }
0x85: {  	_ =	shalt  }
0x86: {  	_ =	shalt  }
0x87: {  	_ =	shalt  }
.Lfunc_end0:
.L_simem_size_0:
called_computation_lowered:
.L_overlay_start_0:
0x88: {  	s2 =	sld [smem:$0x3FD9]  }
0x89: {  	s3 =	sld [smem:$0x3FFE];
	_ =	sdelay $0x1  }
0x8a: {  	s1 =	srdreg.scid  }
0x8b: {  	s0 =	sand.u32 $0x1, s1  }
0x8c: {  	s16 =	sshll.u32 s0, $0xA;
	s2 =	sadd.s32 s3, s2  }
0x8d: {  	s2 =	sadd.s32 s2, s16  }
0x8e: {  	[smem:$0x3FC2] =	sst s2  }
0x8f: {  	_ = 	snop  }
0x90: {  	(tm) =	ssettm $0x1  }
0x91: {  	s17 =	sld [smem:$0x3FFB];
	_ =	sdelay $0x3  }
0x92: {  	_ =	strace s17  }
0x93: {  	s2 =	sld [smem:$0x3FFC];
	_ =	sdelay $0x3  }
0x94: {  	_ =	strace s2  }
0x95: {  	s2 =	sld [smem:$0x3FFD];
	_ =	sdelay $0x3  }
0x96: {  	_ =	strace s2  }
0x97: {  	_ =	strace $0x8FFFFFFF  }
0x98: {  	s18 =	sld [smem:$0x3FDB];
	_ =	sdelay $0x1  }
0x99: {  	s19 =	simm.s32 $_scs_section_size  }
0x9a: {  	s4 =	simm.s32 $_size__tile_overlayer_lowered;
	s5 =	simm.s32 $_tile_overlayer_lowered  }
0x9b: {  	s22 =	simm.s32 $0x1BFF;
	s21 =	sshll.u32 s5, $0x1;
	s2 =	sadd.s32 s19, s18  }
0x9c: {  	s6 =	simm.s32 $0x0;
	s20 =	sshll.u32 s4, $0x1;
	s4 =	sadd.s32 s21, s2  }
0x9d: {  	[timem:s6], [sflag:s22] =	dma.local [hbm:s4], s20  }
0x9e: {  	_ =	swait.ge [sflag:s22], s20  }
0x9f: {  	s3 =	ssub.s32 $0x0, s20;
	[sflag:s22] =	ssyncset.done $0x0  }
0xa0: {  	[sflag:s22] =	ssyncadd.s32 s3;
	_ =	sdelay $0x1  }
0xa1: {  	s23 =	simm.s32 $0x1B8B  }
0xa2: {  	_ =	swait.ge [sflag:s23], $0x1  }
0xa3: {  	[sflag:s23] =	ssyncset.done $0x0  }
0xa4: {  	s25 =	simm.s32 $0x1B8E;
	s24 =	sld [smem:$0x3FFE];
	[sflag:s23] =	ssyncadd.s32 $0xFFFFFFFF  }
0xa5: {  	s26 =	simm.s32 $execute0_lowered;
	[smem:$0x3FD2] =	sst s25  }
0xa6: {  	s4 =	sshll.u32 s26, $0x1;
	_ =	strace $0x80000046;
	[dreg:$0x1] =	wrdreg $0xFFFFFFFF  }
0xa7: {  	s28 =	simm.s32 $_size_execute0_lowered;
	s2 =	sadd.s32 s2, s4;
	[dreg:$0x0] =	wrdreg $0x0  }
0xa8: {  	s4 =	sshll.u32 s28, $0x1;
	[dreg:$0x2] =	wrdreg s2  }
0xa9: {  	[dreg:$0x3] =	wrdreg s4  }
0xaa: {  	[dreg:$0x4] =	wrdreg $0xC0  }
0xab: {  	_ =	task [dreg:s6], $0x5FFFF  }
0xac: {  	[dreg:$0x1] =	wrdreg $0xFFFFFFFF  }
0xad: {  	[dreg:$0x0] =	wrdreg $0x60  }
0xae: {  	[dreg:$0x2] =	wrdreg s24  }
0xaf: {  	[dreg:$0x3] =	wrdreg $0x0  }
0xb0: {  	[dreg:$0x4] =	wrdreg $0x9  }
0xb1: {  	_ =	task.clear_ibuf [dreg:s6], $0x5FFFF;
	_ =	strace $0x90000046  }
0xb2: {  	s29 =	simm.s32 $0x9;
	_ =	strace $0x80000048  }
0xb3: {  	_ =	swait.ge [sflag:s29], $0x1  }
0xb4: {  	[sflag:s29] =	ssyncadd.s32 $0xFFFFFFFF  }
0xb5: {  	_ =	strace $0x90000048  }
0xb6: {  	_ =	sfence  }
0xb7: {  	s30 =	sld [smem:$0x0];
	_ =	sdelay $0x2  }
0xb8: {  	s31 =	sshll.u32 s1, $0xD;
	s1 =	sshrl.u32 s1, $0x2  }
0xb9: {  	s3 =	sand.u32 $0x4000, s31;
	s1 =	sadd.s32 s1, s30  }
0xba: {  	s0 =	sor.u32 s3, s0;
	s1 =	sshll.u32 s1, $0x11  }
0xbb: {  	s0 =	sor.u32 s1, s0  }
0xbc: {  	s0 =	sadd.s32 $0x8F2B, s0  }
0xbd: {  	[sflag:s0] =	ssyncadd.remote.s32 $0x1  }
0xbe: {  	_ =	sfence.sel $0xFFFF  }
0xbf: {  	[dreg:$0x0] =	wrdreg $0xFFFFFFFF;
	(pc) =	sbr.abs _section_cstart, $3  }
0xc0: {  	[dreg:$0x1] =	wrdreg $0xFFFFFFFF  }
0xc1: {  	_ =	task.clear_ibuf [dreg:s6], $0x2FFFF;
	_ =	strace $0x9FFFFFFF  }
0xc2: {  	(tm) =	ssettm $0x7FFFFFFF  }
0xc3: {  	_ =	shalt  }
tec
execute0_lowered:
.L_overlay_start_1:
0x0: {  	(tag) =	ssettag $0x1  }
0x1: {  	s1 =	srdreg.scid;
	s5 =	rddreg [dreg:$0x0]  }
0x2: {  	s0 =	stileid.u32;
	s2 =	rddreg [dreg:$0x1];
	s3 =	simm.s32 $0x0  }
0x3: {  	s14 =	simm.s32 $0x80;
	s15 =	simm.s32 $0x13C80;
	s16 =	simm.s32 $0x13D00  }
0x4: {  	s17 =	simm.s32 $0x13D80;
	s18 =	simm.s32 $0x13E00;
	s19 =	simm.s32 $0x13E80  }
0x5: {  	s20 =	simm.s32 $0x13F00;
	s21 =	simm.s32 $0x13F80;
	s22 =	simm.s32 $0x1  }
0x6: {  	s23 =	simm.s32 $0x0;
	s4 =	sand.u32 $0x1, s1;
	s1 =	rddreg [dreg:$0x2]  }
0x7: {  	s25 =	sshll.u32 s0, $0x1;
	s7 =	smul.u32 $0x13C00, s0;
	[smem:$0x7FF] =	sst s3  }
0x8: {  	s29 =	smul.u32 $0x4F000, s0;
	s31 =	sshll.u32 s0, $0x6;
	s6 =	sor.u32 s4, s25  }
0x9: {  	s9 =	smul.u32 $0x13C000, s4;
	_ =	strace $0x80000047;
	s28 =	ssub.s32 $0x2, s4  }
0xa: {  	s4 =	sadd.s32 $0x47200, s5;
	s6 =	smul.u32 $0x500, s6;
	s8 =	sshrl.u32 s7, $0x3  }
0xb: {  	s11 =	sshrl.u32 s28, $0x1;
	s30 =	sshrl.u32 s29, $0x2;
	s26 =	sadd.s32 s8, s5  }
0xc: {  	s7 =	sadd.s32 s7, s9;
	s11 =	ssub.s32 s28, s11;
	s13 =	sadd.s32 s30, s2  }
0xd: {  	s10 =	sadd.s32 s6, s5;
	s7 =	sshrl.u32 s7, $0x3;
	s6 =	sor.u32 $0x1C02, s31  }
0xe: {  	s9 =	smax.u32 s11, $0x1;
	s11 =	simm.s32 $0x2;
	s12 =	sadd.s32 s7, s5  }
0xf: {  	s5 =	sadd.s32 $0x1FA00, s26;
	s7 =	sadd.s32 $0x1A00, s10;
	s10 =	sshrl.u32 s13, $0x3  }
0x10: {  	s13 =	simm.s32 $0x13C00;
	s8 =	sadd.s32 $0x47A00, s12;
	s12 =	simm.s32 $0x16400  }
.LBB2_1:
0x11: {  	[spmem:s10], [sflag:s6] =	dma.local [hbm:s5], $0x2780  }
0x12: {  	_ =	swait.ge [sflag:s11], $0x2780  }
0x13: {  	[sflag:s11] =	ssyncset.done $0x0  }
0x14: {  	[sflag:s11] =	ssyncadd.s32 $0xFFFFD880  }
0x15: {  	[tilespmem:s12], [sflag:$0x2] =	stream.linear.gather [hbm4b:s4+s3], $0x4000, $0x38;
	[tilespmem:$0x1A400] =	vst v63  }
0x16: {  	_ =	swait.ge [sflag:s11], $0x4000  }
0x17: {  	[sflag:s11] =	ssyncset.done $0x0  }
0x18: {  	[sflag:s11] =	ssyncadd.s32 $0xFFFFC000  }
0x19: {  	[tilespmem:s13], [sflag:$0x2] =	stream.linear.gather [hbm4b:s7+s3], $0x2800, $0x38;
	[tilespmem:$0x1A400] =	vst v63  }
0x1a: {  	_ =	swait.ge [sflag:s11], $0x2800  }
0x1b: {  	[sflag:s11] =	ssyncset.done $0x0  }
0x1c: {  	[sflag:s11] =	ssyncadd.s32 $0xFFFFD800  }
0x1d: {  	[bflag:$0x0] =	sbarrier.arrive $0xFFFF  }
0x1e: {  	[spmem:s2] =	stream.indirect.scatter.add.f32 [tilespmem:s12], [sflag:$0x1], $0x80, s13, s14, $0xb8;
	[tilespmem:$0x1A400] =	vst v63  }
0x1f: {  	_ = 	snop  }
0x20: {  	[spmem:s2] =	stream.indirect.scatter.add.f32 [tilespmem:s12], [sflag:$0x1], $0x80, s15, s14, $0xb8;
	[tilespmem:$0x1A400] =	vst v63  }
0x21: {  	_ = 	snop  }
0x22: {  	[spmem:s2] =	stream.indirect.scatter.add.f32 [tilespmem:s12], [sflag:$0x1], $0x80, s16, s14, $0xb8;
	[tilespmem:$0x1A400] =	vst v63  }
0x23: {  	_ = 	snop  }
0x24: {  	[spmem:s2] =	stream.indirect.scatter.add.f32 [tilespmem:s12], [sflag:$0x1], $0x80, s17, s14, $0xb8;
	[tilespmem:$0x1A400] =	vst v63  }
0x25: {  	_ = 	snop  }
0x26: {  	[spmem:s2] =	stream.indirect.scatter.add.f32 [tilespmem:s12], [sflag:$0x1], $0x80, s18, s14, $0xb8;
	[tilespmem:$0x1A400] =	vst v63  }
0x27: {  	_ = 	snop  }
0x28: {  	[spmem:s2] =	stream.indirect.scatter.add.f32 [tilespmem:s12], [sflag:$0x1], $0x80, s19, s14, $0xb8;
	[tilespmem:$0x1A400] =	vst v63  }
0x29: {  	_ = 	snop  }
0x2a: {  	[spmem:s2] =	stream.indirect.scatter.add.f32 [tilespmem:s12], [sflag:$0x1], $0x80, s20, s14, $0xb8;
	[tilespmem:$0x1A400] =	vst v63  }
0x2b: {  	_ = 	snop  }
0x2c: {  	[spmem:s2] =	stream.indirect.scatter.add.f32 [tilespmem:s12], [sflag:$0x1], $0x80, s21, s14, $0xb8;
	[tilespmem:$0x1A400] =	vst v63  }
0x2d: {  	_ =	swait.ge [sflag:s22], $0x4000  }
0x2e: {  	[sflag:s22] =	ssyncset.done $0x0  }
0x2f: {  	s24 =	simm.s32 $0x1200;
	s25 =	simm.s32 $0x14000;
	[sflag:s22] =	ssyncadd.s32 $0xFFFFC000  }
.LBB2_2:
0x30: {  	[spmem:s2] =	stream.indirect.scatter.add.f32 [tilespmem:s12], [sflag:$0x1], $0x80, s25, s14, $0xb8;
	[tilespmem:$0x1A400] =	vst v63  }
0x31: {  	s25 =	smov.u32 s24;
	p0 =	sne.s32 s24, $0x9E00  }
.Ltmp0:
0x32: {  	s24 =	sadd.s32 $0x200, s24;
	(pc) =	sbr.rel @p0 .LBB2_2-.Ltmp0, $4  }
0x33: {  	_ = 	snop  }
0x34: {  	_ =	swait.ge [sflag:s22], $0x4000  }
0x35: {  	s25 =	sshra.s32 s25, $0x2;
	[sflag:s22] =	ssyncset.done $0x0  }
0x36: {  	s25 =	sadd.s32 $0x13C00, s25;
	[sflag:s22] =	ssyncadd.s32 $0xFFFFC000  }
0x37: {  	[spmem:s2] =	stream.indirect.scatter.add.f32 [tilespmem:s12], [sflag:$0x1], $0x80, s25, s14, $0xb8;
	[tilespmem:$0x1A400] =	vst v63  }
0x38: {  	_ =	swait.ge [sflag:s22], $0x4000  }
0x39: {  	[sflag:s22] =	ssyncset.done $0x0  }
0x3a: {  	[sflag:s22] =	ssyncadd.s32 $0xFFFFC000  }
0x3b: {  	_ =	swait.ge [sflag:s22], $0x4000  }
0x3c: {  	[sflag:s22] =	ssyncset.done $0x0  }
0x3d: {  	[sflag:s22] =	ssyncadd.s32 $0xFFFFC000  }
0x3e: {  	_ =	swait.ge [sflag:s22], $0x4000  }
0x3f: {  	[sflag:s22] =	ssyncset.done $0x0  }
0x40: {  	[sflag:s22] =	ssyncadd.s32 $0xFFFFC000  }
0x41: {  	_ =	swait.ge [sflag:s22], $0x4000  }
0x42: {  	[sflag:s22] =	ssyncset.done $0x0  }
0x43: {  	[sflag:s22] =	ssyncadd.s32 $0xFFFFC000  }
0x44: {  	_ =	swait.ge [sflag:s22], $0x4000  }
0x45: {  	[sflag:s22] =	ssyncset.done $0x0  }
0x46: {  	[sflag:s22] =	ssyncadd.s32 $0xFFFFC000  }
0x47: {  	_ =	swait.ge [sflag:s22], $0x4000  }
0x48: {  	[sflag:s22] =	ssyncset.done $0x0  }
0x49: {  	[sflag:s22] =	ssyncadd.s32 $0xFFFFC000  }
0x4a: {  	_ =	swait.ge [sflag:s22], $0x4000  }
0x4b: {  	[sflag:s22] =	ssyncset.done $0x0  }
0x4c: {  	[sflag:s22] =	ssyncadd.s32 $0xFFFFC000  }
0x4d: {  	_ =	swait.ge [sflag:s22], $0x4000  }
0x4e: {  	s23 =	sadd.s32 $0x1, s23;
	[sflag:s22] =	ssyncset.done $0x0  }
0x4f: {  	p0 =	sne.s32 s23, s9;
	[sflag:s22] =	ssyncadd.s32 $0xFFFFC000  }
.Ltmp1:
0x50: {  	[bflag:$0x0] =	sbarrier.arrive $0xFFFF;
	(pc) =	sbr.rel @p0 .LBB2_1-.Ltmp1, $4  }
0x51: {  	[hbm:s8], [sflag:s6] =	dma.local [spmem:s10], $0x2780  }
0x52: {  	_ =	swait.ge [sflag:s11], $0x2780  }
0x53: {  	[sflag:s11] =	ssyncset.done $0x0  }
0x54: {  	[sflag:s11] =	ssyncadd.s32 $0xFFFFD880  }
0x55: {  	_ =	sfence.sel $0x180000  }
0x56: {  	[bflag:$0x0] =	sbarrier.arrive $0xFFFF  }
0x57: {  	p0 =	sne.s32 s0, $0x0;
	_ =	strace $0x90000047  }
0x58: {  	s0 =	sadd.s32 @!p0 $0x100000, s1;
	[bflag:$0x2] =	sbarrier.arrive $0xFFFF  }
0x59: {  	[sflag:s0] =	ssyncadd.tile.s32 @!p0 $0x1;
	_ =	shalt  }
.Lfunc_end2:
_tile_overlayer_lowered:
.L_overlay_start_2:
0x5a: {  	(tag) =	ssettag $0x2  }
0x5b: {  	s0 =	rddreg [dreg:$0x0];
	s2 =	stileid.u32  }
0x5c: {  	s1 =	rddreg [dreg:$0x1];
	p0 =	sne.s32 s2, $0x0  }
0x5d: {  	s3 =	rddreg [dreg:$0x2];
	[bflag:$0x3] =	sbarrier.arrive $0xFFFF;
	s2 =	simm.s32 @!p0 $0x1C02  }
0x5e: {  	[timem:s3], [sflag:s2] =	dma.local @!p0 [hbm:s0], s1  }
0x5f: {  	s0 =	simm.s32 @!p0 $0x2  }
0x60: {  	_ =	swait.ge @!p0 [sflag:s0], s1  }
0x61: {  	s1 =	ssub.s32 @!p0 $0x0, s1;
	[sflag:s0] =	ssyncset.done @!p0 $0x0  }
0x62: {  	[sflag:s0] =	ssyncadd.s32 @!p0 s1  }
0x63: {  	[bflag:$0x3] =	sbarrier.arrive $0xFFFF  }
0x64: {  	_ =	shalt  }

</sc_bundles>
